<compile_context>
chip_gen: v7x
topology: tpu7x:2x2x1
jax: 0.10.2.dev20260603
libtpu: 0.0.44.dev20260713+nightly
codegen_flags: <defaults>
</compile_context>

<pallas_src>
import functools

import jax
import jax.numpy as jnp
from jax import lax
from jax.experimental import pallas as pl
from jax.experimental.pallas import tpu as pltpu
from jax.experimental.pallas import tpu_sc as plsc

N = 10000
E = 320000
D = 128
H = 64
O = 3
G = 64

NC = 2
NS = 16
NW = NC * NS

CH = 256
NCH = 40
NCH1 = NCH + 1
EPW = NCH * CH
EPAD = NW * EPW

NPAD = 10240
RPT = NPAD // NS
RB = 1024
NRB = NPAD // RB
DEGW = 16

_mesh = plsc.VectorSubcoreMesh(core_axis_name="c", subcore_axis_name="s",
                               num_cores=NC, num_subcores=NS)
_sc_params = pltpu.CompilerParams(use_tc_tiling_on_sc=False)



@functools.partial(
    pl.kernel,
    out_type=jax.ShapeDtypeStruct((NC, NPAD, DEGW), jnp.float32),
    mesh=_mesh,
    compiler_params=_sc_params,
    scratch_types=[
        pltpu.VMEM((NCH1, CH), jnp.int32),
        pltpu.VMEM((CH, DEGW), jnp.float32),
        pltpu.VMEM_SHARED((NPAD, DEGW), jnp.float32),
    ],
)
def _sc_degree(col_hbm, ones_hbm, zeros_hbm, out_hbm, col_v, ones_v, acc_sh):
    c = lax.axis_index("c")
    s = lax.axis_index("s")
    wid = s * NC + c
    pltpu.sync_copy(zeros_hbm, acc_sh.at[pl.ds(s * RPT, RPT)])
    pltpu.sync_copy(ones_hbm, ones_v)
    pltpu.sync_copy(col_hbm.at[wid], col_v)
    plsc.subcore_barrier()

    def body(j, carry):
        pltpu.sync_copy(ones_v, acc_sh.at[col_v.at[j]], add=True)
        return carry

    lax.fori_loop(0, NCH, body, 0)
    plsc.subcore_barrier()
    pltpu.sync_copy(acc_sh.at[pl.ds(s * RPT, RPT)],
                    out_hbm.at[c, pl.ds(s * RPT, RPT)])


@functools.partial(
    pl.kernel,
    out_type=jax.ShapeDtypeStruct((NC, NPAD, H), jnp.float32),
    mesh=_mesh,
    compiler_params=_sc_params,
    scratch_types=[
        pltpu.VMEM((NCH1, CH), jnp.int32),
        pltpu.VMEM((NCH1, CH), jnp.int32),
        pltpu.VMEM((CH, H), jnp.float32),
        pltpu.VMEM_SHARED((NPAD, H), jnp.float32),
        pltpu.VMEM_SHARED((NPAD, H), jnp.float32),
        pltpu.SemaphoreType.DMA,
    ],
)
def _sc_aggregate(y_hbm, row_hbm, col_hbm, zeros_hbm, out_hbm,
                  row_v, col_v, buf, y_sh, acc_sh, sem):
    c = lax.axis_index("c")
    s = lax.axis_index("s")
    wid = s * NC + c
    pltpu.sync_copy(zeros_hbm, acc_sh.at[pl.ds(s * RPT, RPT)])
    pltpu.sync_copy(y_hbm.at[pl.ds(s * RPT, RPT)], y_sh.at[pl.ds(s * RPT, RPT)])
    pltpu.sync_copy(row_hbm.at[wid], row_v)
    pltpu.sync_copy(col_hbm.at[wid], col_v)
    plsc.subcore_barrier()

    def body(j, carry):
        pltpu.async_copy(y_sh.at[row_v.at[j]], buf, sem).wait()
        pltpu.sync_copy(buf, acc_sh.at[col_v.at[j]], add=True)
        return carry

    lax.fori_loop(0, NCH, body, 0)
    plsc.subcore_barrier()
    pltpu.sync_copy(acc_sh.at[pl.ds(s * RPT, RPT)],
                    out_hbm.at[c, pl.ds(s * RPT, RPT)])



def _dinv_block(p_ref):
    deg = 1.0 + p_ref[0, :, 0:1] + p_ref[1, :, 0:1]
    return lax.rsqrt(deg)


def _tc_scale_matmul_body(x_ref, p_ref, w_ref, o_ref):
    dinv = _dinv_block(p_ref)
    xl = jnp.dot(x_ref[...], w_ref[...], preferred_element_type=jnp.float32)
    o_ref[...] = xl * dinv


def _tc_fuse_body(q_ref, y_ref, p_ref, b_ref, w_ref, o_ref):
    dinv = _dinv_block(p_ref)
    h = dinv * (q_ref[0] + q_ref[1] + y_ref[...]) + b_ref[...]
    h = jnp.maximum(h, 0.0)
    o_ref[...] = jnp.dot(h, w_ref[...], preferred_element_type=jnp.float32) * dinv


def _tc_final_body(q_ref, y_ref, p_ref, bt_ref, b_ref,
                   fcw_ref, fcb_ref, o_ref, acc):
    i = pl.program_id(0)

    @pl.when(i == 0)
    def _():
        acc[...] = jnp.zeros_like(acc)

    dinv = _dinv_block(p_ref)
    h = dinv * (q_ref[0] + q_ref[1] + y_ref[...]) + b_ref[...]
    gids = lax.broadcasted_iota(jnp.int32, (1, G), 1)
    bt = bt_ref[0, 0, :]
    onehot = (bt[:, None] == gids).astype(jnp.float32)
    ones = jnp.ones((RB, 8), jnp.float32)
    zer = jnp.zeros((RB, 128 - H - 8), jnp.float32)
    hx = jnp.concatenate([h, ones, zer], axis=1)
    acc[...] += lax.dot_general(onehot, hx, (((0,), (0,)), ((), ())),
                                preferred_element_type=jnp.float32)

    @pl.when(i == pl.num_programs(0) - 1)
    def _():
        pooled_sum = acc[:, :H]
        counts = jnp.maximum(acc[:, H:H + 1], 1.0)
        pooled = pooled_sum / counts
        logits = jnp.dot(pooled, fcw_ref[...],
                         preferred_element_type=jnp.float32) + fcb_ref[...]
        m = jnp.max(logits, axis=1, keepdims=True)
        lse = jnp.log(jnp.sum(jnp.exp(logits - m), axis=1, keepdims=True)) + m
        o_ref[...] = logits - lse


def _tc_scale_matmul(x_p, degp, W):
    return pl.pallas_call(
        _tc_scale_matmul_body,
        grid=(NRB,),
        in_specs=[
            pl.BlockSpec((RB, D), lambda i: (i, 0)),
            pl.BlockSpec((2, RB, DEGW), lambda i: (0, i, 0)),
            pl.BlockSpec((D, H), lambda i: (0, 0)),
        ],
        out_specs=pl.BlockSpec((RB, H), lambda i: (i, 0)),
        out_shape=jax.ShapeDtypeStruct((NPAD, H), jnp.float32),
    )(x_p, degp, W)


def _tc_fuse(q, y, degp, b, W):
    return pl.pallas_call(
        _tc_fuse_body,
        grid=(NRB,),
        in_specs=[
            pl.BlockSpec((2, RB, H), lambda i: (0, i, 0)),
            pl.BlockSpec((RB, H), lambda i: (i, 0)),
            pl.BlockSpec((2, RB, DEGW), lambda i: (0, i, 0)),
            pl.BlockSpec((1, H), lambda i: (0, 0)),
            pl.BlockSpec((H, H), lambda i: (0, 0)),
        ],
        out_specs=pl.BlockSpec((RB, H), lambda i: (i, 0)),
        out_shape=jax.ShapeDtypeStruct((NPAD, H), jnp.float32),
    )(q, y, degp, b, W)


def _tc_final(q, y2, degp, bt3, b2, fcw_p, fcb_p):
    return pl.pallas_call(
        _tc_final_body,
        grid=(NRB,),
        in_specs=[
            pl.BlockSpec((2, RB, H), lambda i: (0, i, 0)),
            pl.BlockSpec((RB, H), lambda i: (i, 0)),
            pl.BlockSpec((2, RB, DEGW), lambda i: (0, i, 0)),
            pl.BlockSpec((1, 1, RB), lambda i: (i, 0, 0)),
            pl.BlockSpec((1, H), lambda i: (0, 0)),
            pl.BlockSpec((H, 128), lambda i: (0, 0)),
            pl.BlockSpec((1, 128), lambda i: (0, 0)),
        ],
        out_specs=pl.BlockSpec((G, 128), lambda i: (0, 0)),
        out_shape=jax.ShapeDtypeStruct((G, 128), jnp.float32),
        scratch_shapes=[pltpu.VMEM((G, 128), jnp.float32)],
    )(q, y2, degp, bt3, b2, fcw_p, fcb_p)



def kernel(x, edge_index, batch, W1, b1, W2, b2, fcW, fcb):
    pad1 = jnp.full((EPAD - E,), N, dtype=jnp.int32)
    dummy = jnp.full((NW, 1, CH), N, dtype=jnp.int32)
    row3 = jnp.concatenate(
        [jnp.concatenate([edge_index[0], pad1]).reshape(NW, NCH, CH), dummy], 1)
    col3 = jnp.concatenate(
        [jnp.concatenate([edge_index[1], pad1]).reshape(NW, NCH, CH), dummy], 1)

    x_p = jnp.zeros((NPAD, D), jnp.float32).at[:N].set(x)
    bt3 = jnp.full((NPAD,), -1, jnp.int32).at[:N].set(batch).reshape(NRB, 1, RB)

    ones_deg = jnp.ones((CH, DEGW), jnp.float32)
    zeros_deg = jnp.zeros((RPT, DEGW), jnp.float32)
    zeros_agg = jnp.zeros((RPT, H), jnp.float32)

    b1r = b1.reshape(1, H)
    b2r = b2.reshape(1, H)
    fcw_p = jnp.zeros((H, 128), jnp.float32).at[:, :O].set(fcW)
    fcb_p = jnp.full((1, 128), -1e30, jnp.float32).at[0, :O].set(fcb)

    degp = _sc_degree(col3, ones_deg, zeros_deg)

    y1 = _tc_scale_matmul(x_p, degp, W1)
    q1 = _sc_aggregate(y1, row3, col3, zeros_agg)
    y2 = _tc_fuse(q1, y1, degp, b1r, W2)
    q2 = _sc_aggregate(y2, row3, col3, zeros_agg)
    outp = _tc_final(q2, y2, degp, bt3, b2r, fcw_p, fcb_p)
    return outp[:, :O]

# --- scband reference (transcript-rebuilt; emitter-appended) ---
"""Pipeline reference for scband-graph-convolutional-network-7937099563188 (READ-ONLY COPY).

The authoritative reference and input builder live on the scoring server;
editing this copy changes nothing except your own understanding.
"""

import jax, jax.numpy as jnp
import numpy as np

N = 10000
E = 320000
D = 128
H = 64
O = 3
G = 64


def setup_inputs(seed: int = 0) -> dict:
    key = jax.random.key(seed)
    k1, k2, k3, k4, k5, k6, k7, k8, k9 = jax.random.split(key, 9)
    x = jax.random.normal(k1, (N, D), dtype=jnp.float32)
    edge_index = jax.random.randint(k2, (2, E), 0, N, dtype=jnp.int32)
    batch = jnp.sort(jax.random.randint(k3, (N,), 0, G, dtype=jnp.int32))
    W1 = jax.random.normal(k4, (D, H), dtype=jnp.float32) / np.sqrt(D)
    b1 = jnp.zeros((H,), dtype=jnp.float32)
    W2 = jax.random.normal(k5, (H, H), dtype=jnp.float32) / np.sqrt(H)
    b2 = jnp.zeros((H,), dtype=jnp.float32)
    fcW = jax.random.normal(k6, (H, O), dtype=jnp.float32) / np.sqrt(H)
    fcb = jnp.zeros((O,), dtype=jnp.float32)
    return {"x": x, "edge_index": edge_index, "batch": batch,
            "W1": W1, "b1": b1, "W2": W2, "b2": b2, "fcW": fcW, "fcb": fcb}


def _gcn_conv(x, edge_index, W, b):
    # GCNConv: x' = D^{-1/2} (A + I) D^{-1/2} (X W) + b  (self-loops added)
    xl = x @ W
    n = x.shape[0]
    loops = jnp.arange(n, dtype=edge_index.dtype)
    row = jnp.concatenate([edge_index[0], loops])
    col = jnp.concatenate([edge_index[1], loops])
    deg = jnp.zeros((n,), dtype=xl.dtype).at[col].add(1.0)
    dinv = jnp.where(deg > 0, 1.0 / jnp.sqrt(deg), 0.0)
    norm = dinv[row] * dinv[col]
    msg = xl[row] * norm[:, None]
    out = jax.ops.segment_sum(msg, col, num_segments=n)
    return out + b


def reference(x, edge_index, batch, W1, b1, W2, b2, fcW, fcb):
    # layer 1 + relu (dropout is identity in eval)
    h = jax.nn.relu(_gcn_conv(x, edge_index, W1, b1))
    # layer 2 (final conv, no activation)
    h = _gcn_conv(h, edge_index, W2, b2)
    # global mean pool over graphs
    ones = jnp.ones((h.shape[0],), dtype=h.dtype)
    counts = jax.ops.segment_sum(ones, batch, num_segments=G)
    pooled = jax.ops.segment_sum(h, batch, num_segments=G) / jnp.maximum(counts, 1.0)[:, None]
    logits = pooled @ fcW + fcb
    return jax.nn.log_softmax(logits, axis=1)

if __name__ == "__main__":
    import jax
    _d = setup_inputs()
    print(jax.jit(kernel)(*tuple(_d.values())))

</pallas_src>

<mosaic_0001>
#map = affine_map<(d0, d1) -> (0, 0)>
#map1 = affine_map<(d0, d1) -> (0, 0, 0)>
module attributes {stable_mosaic.version = 14 : i64} {
  func.func @_sc_aggregate(%arg0: i32, %arg1: i32, %arg2: memref<10240x64xf32, #tpu.memory_space<hbm>>, %arg3: memref<32x41x256xi32, #tpu.memory_space<hbm>>, %arg4: memref<32x41x256xi32, #tpu.memory_space<hbm>>, %arg5: memref<640x64xf32, #tpu.memory_space<hbm>>, %arg6: memref<2x10240x64xf32, #tpu.memory_space<hbm>>, %arg7: memref<41x256xi32, #tpu.memory_space<vmem>>, %arg8: memref<41x256xi32, #tpu.memory_space<vmem>>, %arg9: memref<256x64xf32, #tpu.memory_space<vmem>>, %arg10: memref<10240x64xf32, #tpu.memory_space<vmem_shared>>, %arg11: memref<10240x64xf32, #tpu.memory_space<vmem_shared>>, %arg12: memref<!tpu.dma_semaphore, #tpu.memory_space<semaphore_mem>>) attributes {dimension_semantics = [#tpu.dimension_semantics<core_parallel>, #tpu.dimension_semantics<subcore_parallel>], iteration_bounds = array<i64: 2, 16>, scalar_prefetch = 0 : i64, scratch_operands = 6 : i64, tpu.core_type = #tpu.core_type<sc_vector_subcore>, window_params = [{transform_indices = #map}, {transform_indices = #map1}, {transform_indices = #map1}, {transform_indices = #map}, {transform_indices = #map1}]} {
    %mul3A = arith.constant 2 : i32
    %mul3A_0 = arith.muli %arg1, %mul3A : i32
    %add3A = arith.addi %mul3A_0, %arg0 : i32
    %mul3A_1 = arith.constant 640 : i32
    %mul3A_2 = arith.muli %arg1, %mul3A_1 : i32
    "tpu.region"() ({
      %run_scoped3A = tpu.sem_alloc : memref<!tpu.dma_semaphore, #tpu.memory_space<semaphore_mem>>
      %dma_start3A = arith.constant 0 : i32
      %dma_start3A_17 = tpu.memref_slice %arg11[%mul3A_2, %dma_start3A] : memref<10240x64xf32, #tpu.memory_space<vmem_shared>> -> memref<640x64xf32, #tpu.memory_space<vmem_shared>>
      tpu.enqueue_dma source(%arg5 : memref<640x64xf32, #tpu.memory_space<hbm>>) target(%dma_start3A_17 : memref<640x64xf32, #tpu.memory_space<vmem_shared>>) target_semaphore(%run_scoped3A : memref<!tpu.dma_semaphore, #tpu.memory_space<semaphore_mem>>)
      %dma_wait3A = arith.constant 0 : i32
      %dma_wait3A_18 = tpu.memref_slice %arg11[%mul3A_2, %dma_wait3A] : memref<10240x64xf32, #tpu.memory_space<vmem_shared>> -> memref<640x64xf32, #tpu.memory_space<vmem_shared>>
      tpu.wait_dma2 semaphore(%run_scoped3A : memref<!tpu.dma_semaphore, #tpu.memory_space<semaphore_mem>>) src(%arg5 : memref<640x64xf32, #tpu.memory_space<hbm>>) dst(%dma_wait3A_18 : memref<640x64xf32, #tpu.memory_space<vmem_shared>>)
      tpu.yield
    }) : () -> ()
    %mul3A_3 = arith.constant 640 : i32
    %mul3A_4 = arith.muli %arg1, %mul3A_3 : i32
    %mul3A_5 = arith.constant 640 : i32
    %mul3A_6 = arith.muli %arg1, %mul3A_5 : i32
    "tpu.region"() ({
      %run_scoped3A = tpu.sem_alloc : memref<!tpu.dma_semaphore, #tpu.memory_space<semaphore_mem>>
      %dma_start3A = arith.constant 0 : i32
      %dma_start3A_17 = tpu.memref_slice %arg10[%mul3A_6, %dma_start3A] : memref<10240x64xf32, #tpu.memory_space<vmem_shared>> -> memref<640x64xf32, #tpu.memory_space<vmem_shared>>
      %dma_start3A_18 = arith.constant 0 : i32
      %dma_start3A_19 = tpu.memref_slice %arg2[%mul3A_4, %dma_start3A_18] : memref<10240x64xf32, #tpu.memory_space<hbm>> -> memref<640x64xf32, #tpu.memory_space<hbm>>
      tpu.enqueue_dma source(%dma_start3A_19 : memref<640x64xf32, #tpu.memory_space<hbm>>) target(%dma_start3A_17 : memref<640x64xf32, #tpu.memory_space<vmem_shared>>) target_semaphore(%run_scoped3A : memref<!tpu.dma_semaphore, #tpu.memory_space<semaphore_mem>>)
      %dma_wait3A = arith.constant 0 : i32
      %dma_wait3A_20 = tpu.memref_slice %arg10[%mul3A_6, %dma_wait3A] : memref<10240x64xf32, #tpu.memory_space<vmem_shared>> -> memref<640x64xf32, #tpu.memory_space<vmem_shared>>
      %dma_wait3A_21 = arith.constant 0 : i32
      %dma_wait3A_22 = tpu.memref_slice %arg2[%mul3A_4, %dma_wait3A_21] : memref<10240x64xf32, #tpu.memory_space<hbm>> -> memref<640x64xf32, #tpu.memory_space<hbm>>
      tpu.wait_dma2 semaphore(%run_scoped3A : memref<!tpu.dma_semaphore, #tpu.memory_space<semaphore_mem>>) src(%dma_wait3A_22 : memref<640x64xf32, #tpu.memory_space<hbm>>) dst(%dma_wait3A_20 : memref<640x64xf32, #tpu.memory_space<vmem_shared>>)
      tpu.yield
    }) : () -> ()
    "tpu.region"() ({
      %run_scoped3A = tpu.sem_alloc : memref<!tpu.dma_semaphore, #tpu.memory_space<semaphore_mem>>
      %dma_start3A = arith.constant 0 : i32
      %dma_start3A_17 = arith.constant 0 : i32
      %dma_start3A_18 = tpu.memref_slice %arg3[%add3A, %dma_start3A, %dma_start3A_17] : memref<32x41x256xi32, #tpu.memory_space<hbm>> -> memref<1x41x256xi32, #tpu.memory_space<hbm>>
      %dma_start3A_19 = tpu.memref_squeeze %dma_start3A_18 : memref<1x41x256xi32, #tpu.memory_space<hbm>> -> memref<41x256xi32, #tpu.memory_space<hbm>>
      %dma_start3A_20 = arith.constant 0 : i32
      %dma_start3A_21 = arith.constant 0 : i32
      %dma_start3A_22 = tpu.memref_slice %arg3[%add3A, %dma_start3A_20, %dma_start3A_21] : memref<32x41x256xi32, #tpu.memory_space<hbm>> -> memref<1x41x256xi32, #tpu.memory_space<hbm>>
      %dma_start3A_23 = tpu.memref_squeeze %dma_start3A_22 : memref<1x41x256xi32, #tpu.memory_space<hbm>> -> memref<41x256xi32, #tpu.memory_space<hbm>>
      tpu.enqueue_dma source(%dma_start3A_23 : memref<41x256xi32, #tpu.memory_space<hbm>>) target(%arg7 : memref<41x256xi32, #tpu.memory_space<vmem>>) target_semaphore(%run_scoped3A : memref<!tpu.dma_semaphore, #tpu.memory_space<semaphore_mem>>)
      %dma_wait3A = arith.constant 0 : i32
      %dma_wait3A_24 = arith.constant 0 : i32
      %dma_wait3A_25 = tpu.memref_slice %arg3[%add3A, %dma_wait3A, %dma_wait3A_24] : memref<32x41x256xi32, #tpu.memory_space<hbm>> -> memref<1x41x256xi32, #tpu.memory_space<hbm>>
      %dma_wait3A_26 = tpu.memref_squeeze %dma_wait3A_25 : memref<1x41x256xi32, #tpu.memory_space<hbm>> -> memref<41x256xi32, #tpu.memory_space<hbm>>
      %dma_wait3A_27 = arith.constant 0 : i32
      %dma_wait3A_28 = arith.constant 0 : i32
      %dma_wait3A_29 = tpu.memref_slice %arg3[%add3A, %dma_wait3A_27, %dma_wait3A_28] : memref<32x41x256xi32, #tpu.memory_space<hbm>> -> memref<1x41x256xi32, #tpu.memory_space<hbm>>
      %dma_wait3A_30 = tpu.memref_squeeze %dma_wait3A_29 : memref<1x41x256xi32, #tpu.memory_space<hbm>> -> memref<41x256xi32, #tpu.memory_space<hbm>>
      tpu.wait_dma2 semaphore(%run_scoped3A : memref<!tpu.dma_semaphore, #tpu.memory_space<semaphore_mem>>) src(%dma_wait3A_30 : memref<41x256xi32, #tpu.memory_space<hbm>>) dst(%arg7 : memref<41x256xi32, #tpu.memory_space<vmem>>)
      tpu.yield
    }) : () -> ()
    "tpu.region"() ({
      %run_scoped3A = tpu.sem_alloc : memref<!tpu.dma_semaphore, #tpu.memory_space<semaphore_mem>>
      %dma_start3A = arith.constant 0 : i32
      %dma_start3A_17 = arith.constant 0 : i32
      %dma_start3A_18 = tpu.memref_slice %arg4[%add3A, %dma_start3A, %dma_start3A_17] : memref<32x41x256xi32, #tpu.memory_space<hbm>> -> memref<1x41x256xi32, #tpu.memory_space<hbm>>
      %dma_start3A_19 = tpu.memref_squeeze %dma_start3A_18 : memref<1x41x256xi32, #tpu.memory_space<hbm>> -> memref<41x256xi32, #tpu.memory_space<hbm>>
      %dma_start3A_20 = arith.constant 0 : i32
      %dma_start3A_21 = arith.constant 0 : i32
      %dma_start3A_22 = tpu.memref_slice %arg4[%add3A, %dma_start3A_20, %dma_start3A_21] : memref<32x41x256xi32, #tpu.memory_space<hbm>> -> memref<1x41x256xi32, #tpu.memory_space<hbm>>
      %dma_start3A_23 = tpu.memref_squeeze %dma_start3A_22 : memref<1x41x256xi32, #tpu.memory_space<hbm>> -> memref<41x256xi32, #tpu.memory_space<hbm>>
      tpu.enqueue_dma source(%dma_start3A_23 : memref<41x256xi32, #tpu.memory_space<hbm>>) target(%arg8 : memref<41x256xi32, #tpu.memory_space<vmem>>) target_semaphore(%run_scoped3A : memref<!tpu.dma_semaphore, #tpu.memory_space<semaphore_mem>>)
      %dma_wait3A = arith.constant 0 : i32
      %dma_wait3A_24 = arith.constant 0 : i32
      %dma_wait3A_25 = tpu.memref_slice %arg4[%add3A, %dma_wait3A, %dma_wait3A_24] : memref<32x41x256xi32, #tpu.memory_space<hbm>> -> memref<1x41x256xi32, #tpu.memory_space<hbm>>
      %dma_wait3A_26 = tpu.memref_squeeze %dma_wait3A_25 : memref<1x41x256xi32, #tpu.memory_space<hbm>> -> memref<41x256xi32, #tpu.memory_space<hbm>>
      %dma_wait3A_27 = arith.constant 0 : i32
      %dma_wait3A_28 = arith.constant 0 : i32
      %dma_wait3A_29 = tpu.memref_slice %arg4[%add3A, %dma_wait3A_27, %dma_wait3A_28] : memref<32x41x256xi32, #tpu.memory_space<hbm>> -> memref<1x41x256xi32, #tpu.memory_space<hbm>>
      %dma_wait3A_30 = tpu.memref_squeeze %dma_wait3A_29 : memref<1x41x256xi32, #tpu.memory_space<hbm>> -> memref<41x256xi32, #tpu.memory_space<hbm>>
      tpu.wait_dma2 semaphore(%run_scoped3A : memref<!tpu.dma_semaphore, #tpu.memory_space<semaphore_mem>>) src(%dma_wait3A_30 : memref<41x256xi32, #tpu.memory_space<hbm>>) dst(%arg8 : memref<41x256xi32, #tpu.memory_space<vmem>>)
      tpu.yield
    }) : () -> ()
    %barrier3A = arith.constant 0 : index
    tpu.barrier barrier_id(%barrier3A)
    %scan3A = arith.constant 0 : i32
    %scan3A_7 = arith.constant 0 : i32
    %scan3A_8 = arith.constant 40 : i32
    %scan3A_9 = arith.addi %scan3A_7, %scan3A_8 : i32
    %scan3A_10 = arith.constant 1 : i32
    scf.for %scan3A_17 = %scan3A_7 to %scan3A_9 step %scan3A_10  : i32 {
      %dma_start3A = arith.constant 0 : i32
      %dma_start3A_18 = tpu.memref_slice %arg7[%scan3A_17, %dma_start3A] : memref<41x256xi32, #tpu.memory_space<vmem>> -> memref<1x256xi32, #tpu.memory_space<vmem>>
      %dma_start3A_19 = tpu.memref_squeeze %dma_start3A_18 : memref<1x256xi32, #tpu.memory_space<vmem>> -> memref<256xi32, #tpu.memory_space<vmem>>
      %dma_start3A_20 = arith.constant 0 : i32
      %dma_start3A_21 = arith.constant 0 : i32
      %dma_start3A_22 = tpu.memref_slice %arg10[%dma_start3A_20, %dma_start3A_21] : memref<10240x64xf32, #tpu.memory_space<vmem_shared>> -> memref<10240x64xf32, #tpu.memory_space<vmem_shared>>
      tpu.enqueue_indirect_dma source(%dma_start3A_22 : memref<10240x64xf32, #tpu.memory_space<vmem_shared>>) target(%arg9 : memref<256x64xf32, #tpu.memory_space<vmem>>) offsets(%dma_start3A_19 : memref<256xi32, #tpu.memory_space<vmem>>) semaphore(%arg12 : memref<!tpu.dma_semaphore, #tpu.memory_space<semaphore_mem>>)
      %dma_wait3A = arith.constant 0 : i32
      %dma_wait3A_23 = tpu.memref_slice %arg7[%scan3A_17, %dma_wait3A] : memref<41x256xi32, #tpu.memory_space<vmem>> -> memref<1x256xi32, #tpu.memory_space<vmem>>
      %dma_wait3A_24 = tpu.memref_squeeze %dma_wait3A_23 : memref<1x256xi32, #tpu.memory_space<vmem>> -> memref<256xi32, #tpu.memory_space<vmem>>
      %dma_wait3A_25 = arith.constant 0 : i32
      %dma_wait3A_26 = arith.constant 0 : i32
      %dma_wait3A_27 = tpu.memref_slice %arg10[%dma_wait3A_25, %dma_wait3A_26] : memref<10240x64xf32, #tpu.memory_space<vmem_shared>> -> memref<10240x64xf32, #tpu.memory_space<vmem_shared>>
      tpu.wait_indirect_dma semaphore(%arg12 : memref<!tpu.dma_semaphore, #tpu.memory_space<semaphore_mem>>) src(%dma_wait3A_27 : memref<10240x64xf32, #tpu.memory_space<vmem_shared>>) dst(%arg9 : memref<256x64xf32, #tpu.memory_space<vmem>>)
      "tpu.region"() ({
        %run_scoped3A = tpu.sem_alloc : memref<!tpu.dma_semaphore, #tpu.memory_space<semaphore_mem>>
        %dma_start3A_28 = arith.constant 0 : i32
        %dma_start3A_29 = tpu.memref_slice %arg8[%scan3A_17, %dma_start3A_28] : memref<41x256xi32, #tpu.memory_space<vmem>> -> memref<1x256xi32, #tpu.memory_space<vmem>>
        %dma_start3A_30 = tpu.memref_squeeze %dma_start3A_29 : memref<1x256xi32, #tpu.memory_space<vmem>> -> memref<256xi32, #tpu.memory_space<vmem>>
        %dma_start3A_31 = arith.constant 0 : i32
        %dma_start3A_32 = arith.constant 0 : i32
        %dma_start3A_33 = tpu.memref_slice %arg11[%dma_start3A_31, %dma_start3A_32] : memref<10240x64xf32, #tpu.memory_space<vmem_shared>> -> memref<10240x64xf32, #tpu.memory_space<vmem_shared>>
        tpu.enqueue_indirect_dma source(%arg9 : memref<256x64xf32, #tpu.memory_space<vmem>>) target(%dma_start3A_33 : memref<10240x64xf32, #tpu.memory_space<vmem_shared>>) offsets(%dma_start3A_30 : memref<256xi32, #tpu.memory_space<vmem>>) semaphore(%run_scoped3A : memref<!tpu.dma_semaphore, #tpu.memory_space<semaphore_mem>>) {add = true}
        %dma_wait3A_34 = arith.constant 0 : i32
        %dma_wait3A_35 = tpu.memref_slice %arg8[%scan3A_17, %dma_wait3A_34] : memref<41x256xi32, #tpu.memory_space<vmem>> -> memref<1x256xi32, #tpu.memory_space<vmem>>
        %dma_wait3A_36 = tpu.memref_squeeze %dma_wait3A_35 : memref<1x256xi32, #tpu.memory_space<vmem>> -> memref<256xi32, #tpu.memory_space<vmem>>
        %dma_wait3A_37 = arith.constant 0 : i32
        %dma_wait3A_38 = arith.constant 0 : i32
        %dma_wait3A_39 = tpu.memref_slice %arg11[%dma_wait3A_37, %dma_wait3A_38] : memref<10240x64xf32, #tpu.memory_space<vmem_shared>> -> memref<10240x64xf32, #tpu.memory_space<vmem_shared>>
        tpu.wait_indirect_dma semaphore(%run_scoped3A : memref<!tpu.dma_semaphore, #tpu.memory_space<semaphore_mem>>) src(%arg9 : memref<256x64xf32, #tpu.memory_space<vmem>>) dst(%dma_wait3A_39 : memref<10240x64xf32, #tpu.memory_space<vmem_shared>>)
        tpu.yield
      }) : () -> ()
    }
    %scan3A_11 = arith.constant 40 : i32
    %barrier3A_12 = arith.constant 0 : index
    tpu.barrier barrier_id(%barrier3A_12)
    %mul3A_13 = arith.constant 640 : i32
    %mul3A_14 = arith.muli %arg1, %mul3A_13 : i32
    %mul3A_15 = arith.constant 640 : i32
    %mul3A_16 = arith.muli %arg1, %mul3A_15 : i32
    "tpu.region"() ({
      %run_scoped3A = tpu.sem_alloc : memref<!tpu.dma_semaphore, #tpu.memory_space<semaphore_mem>>
      %dma_start3A = arith.constant 0 : i32
      %dma_start3A_17 = tpu.memref_slice %arg6[%arg0, %mul3A_16, %dma_start3A] : memref<2x10240x64xf32, #tpu.memory_space<hbm>> -> memref<1x640x64xf32, #tpu.memory_space<hbm>>
      %dma_start3A_18 = tpu.memref_squeeze %dma_start3A_17 : memref<1x640x64xf32, #tpu.memory_space<hbm>> -> memref<640x64xf32, #tpu.memory_space<hbm>>
      %dma_start3A_19 = arith.constant 0 : i32
      %dma_start3A_20 = tpu.memref_slice %arg11[%mul3A_14, %dma_start3A_19] : memref<10240x64xf32, #tpu.memory_space<vmem_shared>> -> memref<640x64xf32, #tpu.memory_space<vmem_shared>>
      tpu.enqueue_dma source(%dma_start3A_20 : memref<640x64xf32, #tpu.memory_space<vmem_shared>>) target(%dma_start3A_18 : memref<640x64xf32, #tpu.memory_space<hbm>>) target_semaphore(%run_scoped3A : memref<!tpu.dma_semaphore, #tpu.memory_space<semaphore_mem>>)
      %dma_wait3A = arith.constant 0 : i32
      %dma_wait3A_21 = tpu.memref_slice %arg6[%arg0, %mul3A_16, %dma_wait3A] : memref<2x10240x64xf32, #tpu.memory_space<hbm>> -> memref<1x640x64xf32, #tpu.memory_space<hbm>>
      %dma_wait3A_22 = tpu.memref_squeeze %dma_wait3A_21 : memref<1x640x64xf32, #tpu.memory_space<hbm>> -> memref<640x64xf32, #tpu.memory_space<hbm>>
      %dma_wait3A_23 = arith.constant 0 : i32
      %dma_wait3A_24 = tpu.memref_slice %arg11[%mul3A_14, %dma_wait3A_23] : memref<10240x64xf32, #tpu.memory_space<vmem_shared>> -> memref<640x64xf32, #tpu.memory_space<vmem_shared>>
      tpu.wait_dma2 semaphore(%run_scoped3A : memref<!tpu.dma_semaphore, #tpu.memory_space<semaphore_mem>>) src(%dma_wait3A_24 : memref<640x64xf32, #tpu.memory_space<vmem_shared>>) dst(%dma_wait3A_22 : memref<640x64xf32, #tpu.memory_space<hbm>>)
      tpu.yield
    }) : () -> ()
    return
  }
}

#map = affine_map<(d0, d1) -> (0, 0)>
#map1 = affine_map<(d0, d1) -> (0, 0, 0)>
module attributes {stable_mosaic.version = 14 : i64} {
  func.func @_sc_aggregate(%arg0: i32, %arg1: i32, %arg2: memref<10240x64xf32, #tpu.memory_space<hbm>>, %arg3: memref<32x41x256xi32, #tpu.memory_space<hbm>>, %arg4: memref<32x41x256xi32, #tpu.memory_space<hbm>>, %arg5: memref<640x64xf32, #tpu.memory_space<hbm>>, %arg6: memref<2x10240x64xf32, #tpu.memory_space<hbm>>, %arg7: memref<41x256xi32, #tpu.memory_space<vmem>>, %arg8: memref<41x256xi32, #tpu.memory_space<vmem>>, %arg9: memref<256x64xf32, #tpu.memory_space<vmem>>, %arg10: memref<10240x64xf32, #tpu.memory_space<vmem_shared>>, %arg11: memref<10240x64xf32, #tpu.memory_space<vmem_shared>>, %arg12: memref<!tpu.dma_semaphore, #tpu.memory_space<semaphore_mem>>) attributes {dimension_semantics = [#tpu.dimension_semantics<core_parallel>, #tpu.dimension_semantics<subcore_parallel>], iteration_bounds = array<i64: 2, 16>, scalar_prefetch = 0 : i64, scratch_operands = 6 : i64, tpu.core_type = #tpu.core_type<sc_vector_subcore>, window_params = [{transform_indices = #map}, {transform_indices = #map1}, {transform_indices = #map1}, {transform_indices = #map}, {transform_indices = #map1}]} {
    %mul3A = arith.constant 2 : i32
    %mul3A_0 = arith.muli %arg1, %mul3A : i32
    %add3A = arith.addi %mul3A_0, %arg0 : i32
    %mul3A_1 = arith.constant 640 : i32
    %mul3A_2 = arith.muli %arg1, %mul3A_1 : i32
    "tpu.region"() ({
      %run_scoped3A = tpu.sem_alloc : memref<!tpu.dma_semaphore, #tpu.memory_space<semaphore_mem>>
      %dma_start3A = arith.constant 0 : i32
      %dma_start3A_17 = tpu.memref_slice %arg11[%mul3A_2, %dma_start3A] : memref<10240x64xf32, #tpu.memory_space<vmem_shared>> -> memref<640x64xf32, #tpu.memory_space<vmem_shared>>
      tpu.enqueue_dma source(%arg5 : memref<640x64xf32, #tpu.memory_space<hbm>>) target(%dma_start3A_17 : memref<640x64xf32, #tpu.memory_space<vmem_shared>>) target_semaphore(%run_scoped3A : memref<!tpu.dma_semaphore, #tpu.memory_space<semaphore_mem>>)
      %dma_wait3A = arith.constant 0 : i32
      %dma_wait3A_18 = tpu.memref_slice %arg11[%mul3A_2, %dma_wait3A] : memref<10240x64xf32, #tpu.memory_space<vmem_shared>> -> memref<640x64xf32, #tpu.memory_space<vmem_shared>>
      tpu.wait_dma2 semaphore(%run_scoped3A : memref<!tpu.dma_semaphore, #tpu.memory_space<semaphore_mem>>) src(%arg5 : memref<640x64xf32, #tpu.memory_space<hbm>>) dst(%dma_wait3A_18 : memref<640x64xf32, #tpu.memory_space<vmem_shared>>)
      tpu.yield
    }) : () -> ()
    %mul3A_3 = arith.constant 640 : i32
    %mul3A_4 = arith.muli %arg1, %mul3A_3 : i32
    %mul3A_5 = arith.constant 640 : i32
    %mul3A_6 = arith.muli %arg1, %mul3A_5 : i32
    "tpu.region"() ({
      %run_scoped3A = tpu.sem_alloc : memref<!tpu.dma_semaphore, #tpu.memory_space<semaphore_mem>>
      %dma_start3A = arith.constant 0 : i32
      %dma_start3A_17 = tpu.memref_slice %arg10[%mul3A_6, %dma_start3A] : memref<10240x64xf32, #tpu.memory_space<vmem_shared>> -> memref<640x64xf32, #tpu.memory_space<vmem_shared>>
      %dma_start3A_18 = arith.constant 0 : i32
      %dma_start3A_19 = tpu.memref_slice %arg2[%mul3A_4, %dma_start3A_18] : memref<10240x64xf32, #tpu.memory_space<hbm>> -> memref<640x64xf32, #tpu.memory_space<hbm>>
      tpu.enqueue_dma source(%dma_start3A_19 : memref<640x64xf32, #tpu.memory_space<hbm>>) target(%dma_start3A_17 : memref<640x64xf32, #tpu.memory_space<vmem_shared>>) target_semaphore(%run_scoped3A : memref<!tpu.dma_semaphore, #tpu.memory_space<semaphore_mem>>)
      %dma_wait3A = arith.constant 0 : i32
      %dma_wait3A_20 = tpu.memref_slice %arg10[%mul3A_6, %dma_wait3A] : memref<10240x64xf32, #tpu.memory_space<vmem_shared>> -> memref<640x64xf32, #tpu.memory_space<vmem_shared>>
      %dma_wait3A_21 = arith.constant 0 : i32
      %dma_wait3A_22 = tpu.memref_slice %arg2[%mul3A_4, %dma_wait3A_21] : memref<10240x64xf32, #tpu.memory_space<hbm>> -> memref<640x64xf32, #tpu.memory_space<hbm>>
      tpu.wait_dma2 semaphore(%run_scoped3A : memref<!tpu.dma_semaphore, #tpu.memory_space<semaphore_mem>>) src(%dma_wait3A_22 : memref<640x64xf32, #tpu.memory_space<hbm>>) dst(%dma_wait3A_20 : memref<640x64xf32, #tpu.memory_space<vmem_shared>>)
      tpu.yield
    }) : () -> ()
    "tpu.region"() ({
      %run_scoped3A = tpu.sem_alloc : memref<!tpu.dma_semaphore, #tpu.memory_space<semaphore_mem>>
      %dma_start3A = arith.constant 0 : i32
      %dma_start3A_17 = arith.constant 0 : i32
      %dma_start3A_18 = tpu.memref_slice %arg3[%add3A, %dma_start3A, %dma_start3A_17] : memref<32x41x256xi32, #tpu.memory_space<hbm>> -> memref<1x41x256xi32, #tpu.memory_space<hbm>>
      %dma_start3A_19 = tpu.memref_squeeze %dma_start3A_18 : memref<1x41x256xi32, #tpu.memory_space<hbm>> -> memref<41x256xi32, #tpu.memory_space<hbm>>
      %dma_start3A_20 = arith.constant 0 : i32
      %dma_start3A_21 = arith.constant 0 : i32
      %dma_start3A_22 = tpu.memref_slice %arg3[%add3A, %dma_start3A_20, %dma_start3A_21] : memref<32x41x256xi32, #tpu.memory_space<hbm>> -> memref<1x41x256xi32, #tpu.memory_space<hbm>>
      %dma_start3A_23 = tpu.memref_squeeze %dma_start3A_22 : memref<1x41x256xi32, #tpu.memory_space<hbm>> -> memref<41x256xi32, #tpu.memory_space<hbm>>
      tpu.enqueue_dma source(%dma_start3A_23 : memref<41x256xi32, #tpu.memory_space<hbm>>) target(%arg7 : memref<41x256xi32, #tpu.memory_space<vmem>>) target_semaphore(%run_scoped3A : memref<!tpu.dma_semaphore, #tpu.memory_space<semaphore_mem>>)
      %dma_wait3A = arith.constant 0 : i32
      %dma_wait3A_24 = arith.constant 0 : i32
      %dma_wait3A_25 = tpu.memref_slice %arg3[%add3A, %dma_wait3A, %dma_wait3A_24] : memref<32x41x256xi32, #tpu.memory_space<hbm>> -> memref<1x41x256xi32, #tpu.memory_space<hbm>>
      %dma_wait3A_26 = tpu.memref_squeeze %dma_wait3A_25 : memref<1x41x256xi32, #tpu.memory_space<hbm>> -> memref<41x256xi32, #tpu.memory_space<hbm>>
      %dma_wait3A_27 = arith.constant 0 : i32
      %dma_wait3A_28 = arith.constant 0 : i32
      %dma_wait3A_29 = tpu.memref_slice %arg3[%add3A, %dma_wait3A_27, %dma_wait3A_28] : memref<32x41x256xi32, #tpu.memory_space<hbm>> -> memref<1x41x256xi32, #tpu.memory_space<hbm>>
      %dma_wait3A_30 = tpu.memref_squeeze %dma_wait3A_29 : memref<1x41x256xi32, #tpu.memory_space<hbm>> -> memref<41x256xi32, #tpu.memory_space<hbm>>
      tpu.wait_dma2 semaphore(%run_scoped3A : memref<!tpu.dma_semaphore, #tpu.memory_space<semaphore_mem>>) src(%dma_wait3A_30 : memref<41x256xi32, #tpu.memory_space<hbm>>) dst(%arg7 : memref<41x256xi32, #tpu.memory_space<vmem>>)
      tpu.yield
    }) : () -> ()
    "tpu.region"() ({
      %run_scoped3A = tpu.sem_alloc : memref<!tpu.dma_semaphore, #tpu.memory_space<semaphore_mem>>
      %dma_start3A = arith.constant 0 : i32
      %dma_start3A_17 = arith.constant 0 : i32
      %dma_start3A_18 = tpu.memref_slice %arg4[%add3A, %dma_start3A, %dma_start3A_17] : memref<32x41x256xi32, #tpu.memory_space<hbm>> -> memref<1x41x256xi32, #tpu.memory_space<hbm>>
      %dma_start3A_19 = tpu.memref_squeeze %dma_start3A_18 : memref<1x41x256xi32, #tpu.memory_space<hbm>> -> memref<41x256xi32, #tpu.memory_space<hbm>>
      %dma_start3A_20 = arith.constant 0 : i32
      %dma_start3A_21 = arith.constant 0 : i32
      %dma_start3A_22 = tpu.memref_slice %arg4[%add3A, %dma_start3A_20, %dma_start3A_21] : memref<32x41x256xi32, #tpu.memory_space<hbm>> -> memref<1x41x256xi32, #tpu.memory_space<hbm>>
      %dma_start3A_23 = tpu.memref_squeeze %dma_start3A_22 : memref<1x41x256xi32, #tpu.memory_space<hbm>> -> memref<41x256xi32, #tpu.memory_space<hbm>>
      tpu.enqueue_dma source(%dma_start3A_23 : memref<41x256xi32, #tpu.memory_space<hbm>>) target(%arg8 : memref<41x256xi32, #tpu.memory_space<vmem>>) target_semaphore(%run_scoped3A : memref<!tpu.dma_semaphore, #tpu.memory_space<semaphore_mem>>)
      %dma_wait3A = arith.constant 0 : i32
      %dma_wait3A_24 = arith.constant 0 : i32
      %dma_wait3A_25 = tpu.memref_slice %arg4[%add3A, %dma_wait3A, %dma_wait3A_24] : memref<32x41x256xi32, #tpu.memory_space<hbm>> -> memref<1x41x256xi32, #tpu.memory_space<hbm>>
      %dma_wait3A_26 = tpu.memref_squeeze %dma_wait3A_25 : memref<1x41x256xi32, #tpu.memory_space<hbm>> -> memref<41x256xi32, #tpu.memory_space<hbm>>
      %dma_wait3A_27 = arith.constant 0 : i32
      %dma_wait3A_28 = arith.constant 0 : i32
      %dma_wait3A_29 = tpu.memref_slice %arg4[%add3A, %dma_wait3A_27, %dma_wait3A_28] : memref<32x41x256xi32, #tpu.memory_space<hbm>> -> memref<1x41x256xi32, #tpu.memory_space<hbm>>
      %dma_wait3A_30 = tpu.memref_squeeze %dma_wait3A_29 : memref<1x41x256xi32, #tpu.memory_space<hbm>> -> memref<41x256xi32, #tpu.memory_space<hbm>>
      tpu.wait_dma2 semaphore(%run_scoped3A : memref<!tpu.dma_semaphore, #tpu.memory_space<semaphore_mem>>) src(%dma_wait3A_30 : memref<41x256xi32, #tpu.memory_space<hbm>>) dst(%arg8 : memref<41x256xi32, #tpu.memory_space<vmem>>)
      tpu.yield
    }) : () -> ()
    %barrier3A = arith.constant 0 : index
    tpu.barrier barrier_id(%barrier3A)
    %scan3A = arith.constant 0 : i32
    %scan3A_7 = arith.constant 0 : i32
    %scan3A_8 = arith.constant 40 : i32
    %scan3A_9 = arith.addi %scan3A_7, %scan3A_8 : i32
    %scan3A_10 = arith.constant 1 : i32
    scf.for %scan3A_17 = %scan3A_7 to %scan3A_9 step %scan3A_10  : i32 {
      %dma_start3A = arith.constant 0 : i32
      %dma_start3A_18 = tpu.memref_slice %arg7[%scan3A_17, %dma_start3A] : memref<41x256xi32, #tpu.memory_space<vmem>> -> memref<1x256xi32, #tpu.memory_space<vmem>>
      %dma_start3A_19 = tpu.memref_squeeze %dma_start3A_18 : memref<1x256xi32, #tpu.memory_space<vmem>> -> memref<256xi32, #tpu.memory_space<vmem>>
      %dma_start3A_20 = arith.constant 0 : i32
      %dma_start3A_21 = arith.constant 0 : i32
      %dma_start3A_22 = tpu.memref_slice %arg10[%dma_start3A_20, %dma_start3A_21] : memref<10240x64xf32, #tpu.memory_space<vmem_shared>> -> memref<10240x64xf32, #tpu.memory_space<vmem_shared>>
      tpu.enqueue_indirect_dma source(%dma_start3A_22 : memref<10240x64xf32, #tpu.memory_space<vmem_shared>>) target(%arg9 : memref<256x64xf32, #tpu.memory_space<vmem>>) offsets(%dma_start3A_19 : memref<256xi32, #tpu.memory_space<vmem>>) semaphore(%arg12 : memref<!tpu.dma_semaphore, #tpu.memory_space<semaphore_mem>>)
      %dma_wait3A = arith.constant 0 : i32
      %dma_wait3A_23 = tpu.memref_slice %arg7[%scan3A_17, %dma_wait3A] : memref<41x256xi32, #tpu.memory_space<vmem>> -> memref<1x256xi32, #tpu.memory_space<vmem>>
      %dma_wait3A_24 = tpu.memref_squeeze %dma_wait3A_23 : memref<1x256xi32, #tpu.memory_space<vmem>> -> memref<256xi32, #tpu.memory_space<vmem>>
      %dma_wait3A_25 = arith.constant 0 : i32
      %dma_wait3A_26 = arith.constant 0 : i32
      %dma_wait3A_27 = tpu.memref_slice %arg10[%dma_wait3A_25, %dma_wait3A_26] : memref<10240x64xf32, #tpu.memory_space<vmem_shared>> -> memref<10240x64xf32, #tpu.memory_space<vmem_shared>>
      tpu.wait_indirect_dma semaphore(%arg12 : memref<!tpu.dma_semaphore, #tpu.memory_space<semaphore_mem>>) src(%dma_wait3A_27 : memref<10240x64xf32, #tpu.memory_space<vmem_shared>>) dst(%arg9 : memref<256x64xf32, #tpu.memory_space<vmem>>)
      "tpu.region"() ({
        %run_scoped3A = tpu.sem_alloc : memref<!tpu.dma_semaphore, #tpu.memory_space<semaphore_mem>>
        %dma_start3A_28 = arith.constant 0 : i32
        %dma_start3A_29 = tpu.memref_slice %arg8[%scan3A_17, %dma_start3A_28] : memref<41x256xi32, #tpu.memory_space<vmem>> -> memref<1x256xi32, #tpu.memory_space<vmem>>
        %dma_start3A_30 = tpu.memref_squeeze %dma_start3A_29 : memref<1x256xi32, #tpu.memory_space<vmem>> -> memref<256xi32, #tpu.memory_space<vmem>>
        %dma_start3A_31 = arith.constant 0 : i32
        %dma_start3A_32 = arith.constant 0 : i32
        %dma_start3A_33 = tpu.memref_slice %arg11[%dma_start3A_31, %dma_start3A_32] : memref<10240x64xf32, #tpu.memory_space<vmem_shared>> -> memref<10240x64xf32, #tpu.memory_space<vmem_shared>>
        tpu.enqueue_indirect_dma source(%arg9 : memref<256x64xf32, #tpu.memory_space<vmem>>) target(%dma_start3A_33 : memref<10240x64xf32, #tpu.memory_space<vmem_shared>>) offsets(%dma_start3A_30 : memref<256xi32, #tpu.memory_space<vmem>>) semaphore(%run_scoped3A : memref<!tpu.dma_semaphore, #tpu.memory_space<semaphore_mem>>) {add = true}
        %dma_wait3A_34 = arith.constant 0 : i32
        %dma_wait3A_35 = tpu.memref_slice %arg8[%scan3A_17, %dma_wait3A_34] : memref<41x256xi32, #tpu.memory_space<vmem>> -> memref<1x256xi32, #tpu.memory_space<vmem>>
        %dma_wait3A_36 = tpu.memref_squeeze %dma_wait3A_35 : memref<1x256xi32, #tpu.memory_space<vmem>> -> memref<256xi32, #tpu.memory_space<vmem>>
        %dma_wait3A_37 = arith.constant 0 : i32
        %dma_wait3A_38 = arith.constant 0 : i32
        %dma_wait3A_39 = tpu.memref_slice %arg11[%dma_wait3A_37, %dma_wait3A_38] : memref<10240x64xf32, #tpu.memory_space<vmem_shared>> -> memref<10240x64xf32, #tpu.memory_space<vmem_shared>>
        tpu.wait_indirect_dma semaphore(%run_scoped3A : memref<!tpu.dma_semaphore, #tpu.memory_space<semaphore_mem>>) src(%arg9 : memref<256x64xf32, #tpu.memory_space<vmem>>) dst(%dma_wait3A_39 : memref<10240x64xf32, #tpu.memory_space<vmem_shared>>)
        tpu.yield
      }) : () -> ()
    }
    %scan3A_11 = arith.constant 40 : i32
    %barrier3A_12 = arith.constant 0 : index
    tpu.barrier barrier_id(%barrier3A_12)
    %mul3A_13 = arith.constant 640 : i32
    %mul3A_14 = arith.muli %arg1, %mul3A_13 : i32
    %mul3A_15 = arith.constant 640 : i32
    %mul3A_16 = arith.muli %arg1, %mul3A_15 : i32
    "tpu.region"() ({
      %run_scoped3A = tpu.sem_alloc : memref<!tpu.dma_semaphore, #tpu.memory_space<semaphore_mem>>
      %dma_start3A = arith.constant 0 : i32
      %dma_start3A_17 = tpu.memref_slice %arg6[%arg0, %mul3A_16, %dma_start3A] : memref<2x10240x64xf32, #tpu.memory_space<hbm>> -> memref<1x640x64xf32, #tpu.memory_space<hbm>>
      %dma_start3A_18 = tpu.memref_squeeze %dma_start3A_17 : memref<1x640x64xf32, #tpu.memory_space<hbm>> -> memref<640x64xf32, #tpu.memory_space<hbm>>
      %dma_start3A_19 = arith.constant 0 : i32
      %dma_start3A_20 = tpu.memref_slice %arg11[%mul3A_14, %dma_start3A_19] : memref<10240x64xf32, #tpu.memory_space<vmem_shared>> -> memref<640x64xf32, #tpu.memory_space<vmem_shared>>
      tpu.enqueue_dma source(%dma_start3A_20 : memref<640x64xf32, #tpu.memory_space<vmem_shared>>) target(%dma_start3A_18 : memref<640x64xf32, #tpu.memory_space<hbm>>) target_semaphore(%run_scoped3A : memref<!tpu.dma_semaphore, #tpu.memory_space<semaphore_mem>>)
      %dma_wait3A = arith.constant 0 : i32
      %dma_wait3A_21 = tpu.memref_slice %arg6[%arg0, %mul3A_16, %dma_wait3A] : memref<2x10240x64xf32, #tpu.memory_space<hbm>> -> memref<1x640x64xf32, #tpu.memory_space<hbm>>
      %dma_wait3A_22 = tpu.memref_squeeze %dma_wait3A_21 : memref<1x640x64xf32, #tpu.memory_space<hbm>> -> memref<640x64xf32, #tpu.memory_space<hbm>>
      %dma_wait3A_23 = arith.constant 0 : i32
      %dma_wait3A_24 = tpu.memref_slice %arg11[%mul3A_14, %dma_wait3A_23] : memref<10240x64xf32, #tpu.memory_space<vmem_shared>> -> memref<640x64xf32, #tpu.memory_space<vmem_shared>>
      tpu.wait_dma2 semaphore(%run_scoped3A : memref<!tpu.dma_semaphore, #tpu.memory_space<semaphore_mem>>) src(%dma_wait3A_24 : memref<640x64xf32, #tpu.memory_space<vmem_shared>>) dst(%dma_wait3A_22 : memref<640x64xf32, #tpu.memory_space<hbm>>)
      tpu.yield
    }) : () -> ()
    return
  }
}

#map = affine_map<(d0, d1) -> (0, 0, 0)>
#map1 = affine_map<(d0, d1) -> (0, 0)>
module attributes {stable_mosaic.version = 14 : i64} {
  func.func @_sc_degree(%arg0: i32, %arg1: i32, %arg2: memref<32x41x256xi32, #tpu.memory_space<hbm>>, %arg3: memref<256x16xf32, #tpu.memory_space<hbm>>, %arg4: memref<640x16xf32, #tpu.memory_space<hbm>>, %arg5: memref<2x10240x16xf32, #tpu.memory_space<hbm>>, %arg6: memref<41x256xi32, #tpu.memory_space<vmem>>, %arg7: memref<256x16xf32, #tpu.memory_space<vmem>>, %arg8: memref<10240x16xf32, #tpu.memory_space<vmem_shared>>) attributes {dimension_semantics = [#tpu.dimension_semantics<core_parallel>, #tpu.dimension_semantics<subcore_parallel>], iteration_bounds = array<i64: 2, 16>, scalar_prefetch = 0 : i64, scratch_operands = 3 : i64, tpu.core_type = #tpu.core_type<sc_vector_subcore>, window_params = [{transform_indices = #map}, {transform_indices = #map1}, {transform_indices = #map1}, {transform_indices = #map}]} {
    %mul3A = arith.constant 2 : i32
    %mul3A_0 = arith.muli %arg1, %mul3A : i32
    %add3A = arith.addi %mul3A_0, %arg0 : i32
    %mul3A_1 = arith.constant 640 : i32
    %mul3A_2 = arith.muli %arg1, %mul3A_1 : i32
    "tpu.region"() ({
      %run_scoped3A = tpu.sem_alloc : memref<!tpu.dma_semaphore, #tpu.memory_space<semaphore_mem>>
      %dma_start3A = arith.constant 0 : i32
      %dma_start3A_13 = tpu.memref_slice %arg8[%mul3A_2, %dma_start3A] : memref<10240x16xf32, #tpu.memory_space<vmem_shared>> -> memref<640x16xf32, #tpu.memory_space<vmem_shared>>
      tpu.enqueue_dma source(%arg4 : memref<640x16xf32, #tpu.memory_space<hbm>>) target(%dma_start3A_13 : memref<640x16xf32, #tpu.memory_space<vmem_shared>>) target_semaphore(%run_scoped3A : memref<!tpu.dma_semaphore, #tpu.memory_space<semaphore_mem>>)
      %dma_wait3A = arith.constant 0 : i32
      %dma_wait3A_14 = tpu.memref_slice %arg8[%mul3A_2, %dma_wait3A] : memref<10240x16xf32, #tpu.memory_space<vmem_shared>> -> memref<640x16xf32, #tpu.memory_space<vmem_shared>>
      tpu.wait_dma2 semaphore(%run_scoped3A : memref<!tpu.dma_semaphore, #tpu.memory_space<semaphore_mem>>) src(%arg4 : memref<640x16xf32, #tpu.memory_space<hbm>>) dst(%dma_wait3A_14 : memref<640x16xf32, #tpu.memory_space<vmem_shared>>)
      tpu.yield
    }) : () -> ()
    "tpu.region"() ({
      %run_scoped3A = tpu.sem_alloc : memref<!tpu.dma_semaphore, #tpu.memory_space<semaphore_mem>>
      tpu.enqueue_dma source(%arg3 : memref<256x16xf32, #tpu.memory_space<hbm>>) target(%arg7 : memref<256x16xf32, #tpu.memory_space<vmem>>) target_semaphore(%run_scoped3A : memref<!tpu.dma_semaphore, #tpu.memory_space<semaphore_mem>>)
      tpu.wait_dma2 semaphore(%run_scoped3A : memref<!tpu.dma_semaphore, #tpu.memory_space<semaphore_mem>>) src(%arg3 : memref<256x16xf32, #tpu.memory_space<hbm>>) dst(%arg7 : memref<256x16xf32, #tpu.memory_space<vmem>>)
      tpu.yield
    }) : () -> ()
    "tpu.region"() ({
      %run_scoped3A = tpu.sem_alloc : memref<!tpu.dma_semaphore, #tpu.memory_space<semaphore_mem>>
      %dma_start3A = arith.constant 0 : i32
      %dma_start3A_13 = arith.constant 0 : i32
      %dma_start3A_14 = tpu.memref_slice %arg2[%add3A, %dma_start3A, %dma_start3A_13] : memref<32x41x256xi32, #tpu.memory_space<hbm>> -> memref<1x41x256xi32, #tpu.memory_space<hbm>>
      %dma_start3A_15 = tpu.memref_squeeze %dma_start3A_14 : memref<1x41x256xi32, #tpu.memory_space<hbm>> -> memref<41x256xi32, #tpu.memory_space<hbm>>
      %dma_start3A_16 = arith.constant 0 : i32
      %dma_start3A_17 = arith.constant 0 : i32
      %dma_start3A_18 = tpu.memref_slice %arg2[%add3A, %dma_start3A_16, %dma_start3A_17] : memref<32x41x256xi32, #tpu.memory_space<hbm>> -> memref<1x41x256xi32, #tpu.memory_space<hbm>>
      %dma_start3A_19 = tpu.memref_squeeze %dma_start3A_18 : memref<1x41x256xi32, #tpu.memory_space<hbm>> -> memref<41x256xi32, #tpu.memory_space<hbm>>
      tpu.enqueue_dma source(%dma_start3A_19 : memref<41x256xi32, #tpu.memory_space<hbm>>) target(%arg6 : memref<41x256xi32, #tpu.memory_space<vmem>>) target_semaphore(%run_scoped3A : memref<!tpu.dma_semaphore, #tpu.memory_space<semaphore_mem>>)
      %dma_wait3A = arith.constant 0 : i32
      %dma_wait3A_20 = arith.constant 0 : i32
      %dma_wait3A_21 = tpu.memref_slice %arg2[%add3A, %dma_wait3A, %dma_wait3A_20] : memref<32x41x256xi32, #tpu.memory_space<hbm>> -> memref<1x41x256xi32, #tpu.memory_space<hbm>>
      %dma_wait3A_22 = tpu.memref_squeeze %dma_wait3A_21 : memref<1x41x256xi32, #tpu.memory_space<hbm>> -> memref<41x256xi32, #tpu.memory_space<hbm>>
      %dma_wait3A_23 = arith.constant 0 : i32
      %dma_wait3A_24 = arith.constant 0 : i32
      %dma_wait3A_25 = tpu.memref_slice %arg2[%add3A, %dma_wait3A_23, %dma_wait3A_24] : memref<32x41x256xi32, #tpu.memory_space<hbm>> -> memref<1x41x256xi32, #tpu.memory_space<hbm>>
      %dma_wait3A_26 = tpu.memref_squeeze %dma_wait3A_25 : memref<1x41x256xi32, #tpu.memory_space<hbm>> -> memref<41x256xi32, #tpu.memory_space<hbm>>
      tpu.wait_dma2 semaphore(%run_scoped3A : memref<!tpu.dma_semaphore, #tpu.memory_space<semaphore_mem>>) src(%dma_wait3A_26 : memref<41x256xi32, #tpu.memory_space<hbm>>) dst(%arg6 : memref<41x256xi32, #tpu.memory_space<vmem>>)
      tpu.yield
    }) : () -> ()
    %barrier3A = arith.constant 0 : index
    tpu.barrier barrier_id(%barrier3A)
    %scan3A = arith.constant 0 : i32
    %scan3A_3 = arith.constant 0 : i32
    %scan3A_4 = arith.constant 40 : i32
    %scan3A_5 = arith.addi %scan3A_3, %scan3A_4 : i32
    %scan3A_6 = arith.constant 1 : i32
    scf.for %scan3A_13 = %scan3A_3 to %scan3A_5 step %scan3A_6  : i32 {
      "tpu.region"() ({
        %run_scoped3A = tpu.sem_alloc : memref<!tpu.dma_semaphore, #tpu.memory_space<semaphore_mem>>
        %dma_start3A = arith.constant 0 : i32
        %dma_start3A_14 = tpu.memref_slice %arg6[%scan3A_13, %dma_start3A] : memref<41x256xi32, #tpu.memory_space<vmem>> -> memref<1x256xi32, #tpu.memory_space<vmem>>
        %dma_start3A_15 = tpu.memref_squeeze %dma_start3A_14 : memref<1x256xi32, #tpu.memory_space<vmem>> -> memref<256xi32, #tpu.memory_space<vmem>>
        %dma_start3A_16 = arith.constant 0 : i32
        %dma_start3A_17 = arith.constant 0 : i32
        %dma_start3A_18 = tpu.memref_slice %arg8[%dma_start3A_16, %dma_start3A_17] : memref<10240x16xf32, #tpu.memory_space<vmem_shared>> -> memref<10240x16xf32, #tpu.memory_space<vmem_shared>>
        tpu.enqueue_indirect_dma source(%arg7 : memref<256x16xf32, #tpu.memory_space<vmem>>) target(%dma_start3A_18 : memref<10240x16xf32, #tpu.memory_space<vmem_shared>>) offsets(%dma_start3A_15 : memref<256xi32, #tpu.memory_space<vmem>>) semaphore(%run_scoped3A : memref<!tpu.dma_semaphore, #tpu.memory_space<semaphore_mem>>) {add = true}
        %dma_wait3A = arith.constant 0 : i32
        %dma_wait3A_19 = tpu.memref_slice %arg6[%scan3A_13, %dma_wait3A] : memref<41x256xi32, #tpu.memory_space<vmem>> -> memref<1x256xi32, #tpu.memory_space<vmem>>
        %dma_wait3A_20 = tpu.memref_squeeze %dma_wait3A_19 : memref<1x256xi32, #tpu.memory_space<vmem>> -> memref<256xi32, #tpu.memory_space<vmem>>
        %dma_wait3A_21 = arith.constant 0 : i32
        %dma_wait3A_22 = arith.constant 0 : i32
        %dma_wait3A_23 = tpu.memref_slice %arg8[%dma_wait3A_21, %dma_wait3A_22] : memref<10240x16xf32, #tpu.memory_space<vmem_shared>> -> memref<10240x16xf32, #tpu.memory_space<vmem_shared>>
        tpu.wait_indirect_dma semaphore(%run_scoped3A : memref<!tpu.dma_semaphore, #tpu.memory_space<semaphore_mem>>) src(%arg7 : memref<256x16xf32, #tpu.memory_space<vmem>>) dst(%dma_wait3A_23 : memref<10240x16xf32, #tpu.memory_space<vmem_shared>>)
        tpu.yield
      }) : () -> ()
    }
    %scan3A_7 = arith.constant 40 : i32
    %barrier3A_8 = arith.constant 0 : index
    tpu.barrier barrier_id(%barrier3A_8)
    %mul3A_9 = arith.constant 640 : i32
    %mul3A_10 = arith.muli %arg1, %mul3A_9 : i32
    %mul3A_11 = arith.constant 640 : i32
    %mul3A_12 = arith.muli %arg1, %mul3A_11 : i32
    "tpu.region"() ({
      %run_scoped3A = tpu.sem_alloc : memref<!tpu.dma_semaphore, #tpu.memory_space<semaphore_mem>>
      %dma_start3A = arith.constant 0 : i32
      %dma_start3A_13 = tpu.memref_slice %arg5[%arg0, %mul3A_12, %dma_start3A] : memref<2x10240x16xf32, #tpu.memory_space<hbm>> -> memref<1x640x16xf32, #tpu.memory_space<hbm>>
      %dma_start3A_14 = tpu.memref_squeeze %dma_start3A_13 : memref<1x640x16xf32, #tpu.memory_space<hbm>> -> memref<640x16xf32, #tpu.memory_space<hbm>>
      %dma_start3A_15 = arith.constant 0 : i32
      %dma_start3A_16 = tpu.memref_slice %arg8[%mul3A_10, %dma_start3A_15] : memref<10240x16xf32, #tpu.memory_space<vmem_shared>> -> memref<640x16xf32, #tpu.memory_space<vmem_shared>>
      tpu.enqueue_dma source(%dma_start3A_16 : memref<640x16xf32, #tpu.memory_space<vmem_shared>>) target(%dma_start3A_14 : memref<640x16xf32, #tpu.memory_space<hbm>>) target_semaphore(%run_scoped3A : memref<!tpu.dma_semaphore, #tpu.memory_space<semaphore_mem>>)
      %dma_wait3A = arith.constant 0 : i32
      %dma_wait3A_17 = tpu.memref_slice %arg5[%arg0, %mul3A_12, %dma_wait3A] : memref<2x10240x16xf32, #tpu.memory_space<hbm>> -> memref<1x640x16xf32, #tpu.memory_space<hbm>>
      %dma_wait3A_18 = tpu.memref_squeeze %dma_wait3A_17 : memref<1x640x16xf32, #tpu.memory_space<hbm>> -> memref<640x16xf32, #tpu.memory_space<hbm>>
      %dma_wait3A_19 = arith.constant 0 : i32
      %dma_wait3A_20 = tpu.memref_slice %arg8[%mul3A_10, %dma_wait3A_19] : memref<10240x16xf32, #tpu.memory_space<vmem_shared>> -> memref<640x16xf32, #tpu.memory_space<vmem_shared>>
      tpu.wait_dma2 semaphore(%run_scoped3A : memref<!tpu.dma_semaphore, #tpu.memory_space<semaphore_mem>>) src(%dma_wait3A_20 : memref<640x16xf32, #tpu.memory_space<vmem_shared>>) dst(%dma_wait3A_18 : memref<640x16xf32, #tpu.memory_space<hbm>>)
      tpu.yield
    }) : () -> ()
    return
  }
}

module attributes {stable_mosaic.version = 14 : i64} {
  func.func @_tc_scale_matmul_body(%arg0: i32, %arg1: memref<1024x128xf32, #tpu.memory_space<vmem>>, %arg2: memref<2x1024x16xf32, #tpu.memory_space<vmem>>, %arg3: memref<128x64xf32, #tpu.memory_space<vmem>>, %arg4: memref<1024x64xf32, #tpu.memory_space<vmem>>) attributes {dimension_semantics = [#tpu.dimension_semantics<arbitrary>], iteration_bounds = array<i64: 10>, scalar_prefetch = 0 : i64, scratch_operands = 0 : i64, tpu.core_type = #tpu.core_type<tc>, window_params = [{transform_indices = @transform_0, window_bounds = array<i64: 1024, 128>}, {transform_indices = @transform_1, window_bounds = array<i64: 2, 1024, 16>}, {pipeline_mode = #tpu.pipeline_mode<synchronous>, transform_indices = @transform_2, window_bounds = array<i64: 128, 64>}, {transform_indices = @transform_3, window_bounds = array<i64: 1024, 64>}]} {
    %get3A = arith.constant 0 : index
    %get3A_0 = arith.constant 0 : index
    %get3A_1 = arith.constant 0 : index
    %get3A_2 = vector.load %arg2[%get3A, %get3A_0, %get3A_1] : memref<2x1024x16xf32, #tpu.memory_space<vmem>>, vector<1x1024x1xf32>
    %get3A_3 = vector.shape_cast %get3A_2 : vector<1x1024x1xf32> to vector<1024x1xf32>
    %add3A = arith.constant 1.000000e+00 : f32
    %add3A_4 = vector.broadcast %add3A : f32 to vector<1024x1xf32>
    %add3A_5 = arith.addf %add3A_4, %get3A_3 : vector<1024x1xf32>
    %get3A_6 = arith.constant 1 : index
    %get3A_7 = arith.constant 0 : index
    %get3A_8 = arith.constant 0 : index
    %get3A_9 = vector.load %arg2[%get3A_6, %get3A_7, %get3A_8] : memref<2x1024x16xf32, #tpu.memory_space<vmem>>, vector<1x1024x1xf32>
    %get3A_10 = vector.shape_cast %get3A_9 : vector<1x1024x1xf32> to vector<1024x1xf32>
    %add3A_11 = arith.addf %add3A_5, %get3A_10 : vector<1024x1xf32>
    %rsqrt3A = math.rsqrt %add3A_11 : vector<1024x1xf32>
    %get3A_12 = arith.constant 0 : index
    %get3A_13 = arith.constant 0 : index
    %get3A_14 = vector.load %arg1[%get3A_12, %get3A_13] : memref<1024x128xf32, #tpu.memory_space<vmem>>, vector<1024x128xf32>
    %get3A_15 = arith.constant 0 : index
    %get3A_16 = arith.constant 0 : index
    %get3A_17 = vector.load %arg3[%get3A_15, %get3A_16] : memref<128x64xf32, #tpu.memory_space<vmem>>, vector<128x64xf32>
    %dot_general3A = arith.constant dense<0.000000e+00> : vector<1024x64xf32>
    %dot_general3A_18 = tpu.matmul %get3A_14, %get3A_17, %dot_general3A {dimension_numbers = #tpu.dot_dimension_numbers<[1], [0], [0], [1], [0, 0, 1, 1], [], []>, transpose_lhs_hint = false} : vector<1024x128xf32>, vector<128x64xf32>, vector<1024x64xf32> -> vector<1024x64xf32>
    %mul3A = vector.broadcast %rsqrt3A : vector<1024x1xf32> to vector<1024x64xf32>
    %mul3A_19 = arith.mulf %dot_general3A_18, %mul3A : vector<1024x64xf32>
    %swap3A = arith.constant 0 : index
    %swap3A_20 = arith.constant 0 : index
    %swap3A_21 = vector.load %arg4[%swap3A, %swap3A_20] : memref<1024x64xf32, #tpu.memory_space<vmem>>, vector<1024x64xf32>
    tpu.vector_store %arg4[%swap3A, %swap3A_20], %mul3A_19 {strides = array<i32>} : memref<1024x64xf32, #tpu.memory_space<vmem>>, vector<1024x64xf32>,
    return
  }
  func.func @transform_0(%arg0: i32) -> (i32, i32) {
    %c0_i32 = arith.constant 0 : i32
    %c0_i32_0 = arith.constant 0 : i32
    return %arg0, %c0_i32 : i32, i32
  }
  func.func @transform_1(%arg0: i32) -> (i32, i32, i32) {
    %c0_i32 = arith.constant 0 : i32
    %c0_i32_0 = arith.constant 0 : i32
    %c0_i32_1 = arith.constant 0 : i32
    return %c0_i32, %arg0, %c0_i32_0 : i32, i32, i32
  }
  func.func @transform_2(%arg0: i32) -> (i32, i32) {
    %c0_i32 = arith.constant 0 : i32
    %c0_i32_0 = arith.constant 0 : i32
    %c0_i32_1 = arith.constant 0 : i32
    return %c0_i32, %c0_i32_0 : i32, i32
  }
  func.func @transform_3(%arg0: i32) -> (i32, i32) {
    %c0_i32 = arith.constant 0 : i32
    %c0_i32_0 = arith.constant 0 : i32
    return %arg0, %c0_i32 : i32, i32
  }
}

module attributes {stable_mosaic.version = 14 : i64} {
  func.func @_tc_fuse_body(%arg0: i32, %arg1: memref<2x1024x64xf32, #tpu.memory_space<vmem>>, %arg2: memref<1024x64xf32, #tpu.memory_space<vmem>>, %arg3: memref<2x1024x16xf32, #tpu.memory_space<vmem>>, %arg4: memref<1x64xf32, #tpu.memory_space<vmem>>, %arg5: memref<64x64xf32, #tpu.memory_space<vmem>>, %arg6: memref<1024x64xf32, #tpu.memory_space<vmem>>) attributes {dimension_semantics = [#tpu.dimension_semantics<arbitrary>], iteration_bounds = array<i64: 10>, scalar_prefetch = 0 : i64, scratch_operands = 0 : i64, tpu.core_type = #tpu.core_type<tc>, window_params = [{transform_indices = @transform_0, window_bounds = array<i64: 2, 1024, 64>}, {transform_indices = @transform_1, window_bounds = array<i64: 1024, 64>}, {transform_indices = @transform_2, window_bounds = array<i64: 2, 1024, 16>}, {pipeline_mode = #tpu.pipeline_mode<synchronous>, transform_indices = @transform_3, window_bounds = array<i64: 1, 64>}, {pipeline_mode = #tpu.pipeline_mode<synchronous>, transform_indices = @transform_4, window_bounds = array<i64: 64, 64>}, {transform_indices = @transform_5, window_bounds = array<i64: 1024, 64>}]} {
    %get3A = arith.constant 0 : index
    %get3A_0 = arith.constant 0 : index
    %get3A_1 = arith.constant 0 : index
    %get3A_2 = vector.load %arg3[%get3A, %get3A_0, %get3A_1] : memref<2x1024x16xf32, #tpu.memory_space<vmem>>, vector<1x1024x1xf32>
    %get3A_3 = vector.shape_cast %get3A_2 : vector<1x1024x1xf32> to vector<1024x1xf32>
    %add3A = arith.constant 1.000000e+00 : f32
    %add3A_4 = vector.broadcast %add3A : f32 to vector<1024x1xf32>
    %add3A_5 = arith.addf %add3A_4, %get3A_3 : vector<1024x1xf32>
    %get3A_6 = arith.constant 1 : index
    %get3A_7 = arith.constant 0 : index
    %get3A_8 = arith.constant 0 : index
    %get3A_9 = vector.load %arg3[%get3A_6, %get3A_7, %get3A_8] : memref<2x1024x16xf32, #tpu.memory_space<vmem>>, vector<1x1024x1xf32>
    %get3A_10 = vector.shape_cast %get3A_9 : vector<1x1024x1xf32> to vector<1024x1xf32>
    %add3A_11 = arith.addf %add3A_5, %get3A_10 : vector<1024x1xf32>
    %rsqrt3A = math.rsqrt %add3A_11 : vector<1024x1xf32>
    %get3A_12 = arith.constant 0 : index
    %get3A_13 = arith.constant 0 : index
    %get3A_14 = arith.constant 0 : index
    %get3A_15 = vector.load %arg1[%get3A_12, %get3A_13, %get3A_14] : memref<2x1024x64xf32, #tpu.memory_space<vmem>>, vector<1x1024x64xf32>
    %get3A_16 = vector.shape_cast %get3A_15 : vector<1x1024x64xf32> to vector<1024x64xf32>
    %get3A_17 = arith.constant 1 : index
    %get3A_18 = arith.constant 0 : index
    %get3A_19 = arith.constant 0 : index
    %get3A_20 = vector.load %arg1[%get3A_17, %get3A_18, %get3A_19] : memref<2x1024x64xf32, #tpu.memory_space<vmem>>, vector<1x1024x64xf32>
    %get3A_21 = vector.shape_cast %get3A_20 : vector<1x1024x64xf32> to vector<1024x64xf32>
    %add3A_22 = arith.addf %get3A_16, %get3A_21 : vector<1024x64xf32>
    %get3A_23 = arith.constant 0 : index
    %get3A_24 = arith.constant 0 : index
    %get3A_25 = vector.load %arg2[%get3A_23, %get3A_24] : memref<1024x64xf32, #tpu.memory_space<vmem>>, vector<1024x64xf32>
    %add3A_26 = arith.addf %add3A_22, %get3A_25 : vector<1024x64xf32>
    %mul3A = vector.broadcast %rsqrt3A : vector<1024x1xf32> to vector<1024x64xf32>
    %mul3A_27 = arith.mulf %mul3A, %add3A_26 : vector<1024x64xf32>
    %get3A_28 = arith.constant 0 : index
    %get3A_29 = arith.constant 0 : index
    %get3A_30 = vector.load %arg4[%get3A_28, %get3A_29] : memref<1x64xf32, #tpu.memory_space<vmem>>, vector<1x64xf32>
    %add3A_31 = vector.broadcast %get3A_30 : vector<1x64xf32> to vector<1024x64xf32>
    %add3A_32 = arith.addf %mul3A_27, %add3A_31 : vector<1024x64xf32>
    %max3A = arith.constant 0.000000e+00 : f32
    %max3A_33 = vector.broadcast %max3A : f32 to vector<1024x64xf32>
    %max3A_34 = arith.maximumf %add3A_32, %max3A_33 : vector<1024x64xf32>
    %get3A_35 = arith.constant 0 : index
    %get3A_36 = arith.constant 0 : index
    %get3A_37 = vector.load %arg5[%get3A_35, %get3A_36] : memref<64x64xf32, #tpu.memory_space<vmem>>, vector<64x64xf32>
    %dot_general3A = arith.constant dense<0.000000e+00> : vector<1024x64xf32>
    %dot_general3A_38 = tpu.matmul %max3A_34, %get3A_37, %dot_general3A {dimension_numbers = #tpu.dot_dimension_numbers<[1], [0], [0], [1], [0, 0, 1, 1], [], []>, transpose_lhs_hint = false} : vector<1024x64xf32>, vector<64x64xf32>, vector<1024x64xf32> -> vector<1024x64xf32>
    %mul3A_39 = vector.broadcast %rsqrt3A : vector<1024x1xf32> to vector<1024x64xf32>
    %mul3A_40 = arith.mulf %dot_general3A_38, %mul3A_39 : vector<1024x64xf32>
    %swap3A = arith.constant 0 : index
    %swap3A_41 = arith.constant 0 : index
    %swap3A_42 = vector.load %arg6[%swap3A, %swap3A_41] : memref<1024x64xf32, #tpu.memory_space<vmem>>, vector<1024x64xf32>
    tpu.vector_store %arg6[%swap3A, %swap3A_41], %mul3A_40 {strides = array<i32>} : memref<1024x64xf32, #tpu.memory_space<vmem>>, vector<1024x64xf32>,
    return
  }
  func.func @transform_0(%arg0: i32) -> (i32, i32, i32) {
    %c0_i32 = arith.constant 0 : i32
    %c0_i32_0 = arith.constant 0 : i32
    %c0_i32_1 = arith.constant 0 : i32
    return %c0_i32, %arg0, %c0_i32_0 : i32, i32, i32
  }
  func.func @transform_1(%arg0: i32) -> (i32, i32) {
    %c0_i32 = arith.constant 0 : i32
    %c0_i32_0 = arith.constant 0 : i32
    return %arg0, %c0_i32 : i32, i32
  }
  func.func @transform_2(%arg0: i32) -> (i32, i32, i32) {
    %c0_i32 = arith.constant 0 : i32
    %c0_i32_0 = arith.constant 0 : i32
    %c0_i32_1 = arith.constant 0 : i32
    return %c0_i32, %arg0, %c0_i32_0 : i32, i32, i32
  }
  func.func @transform_3(%arg0: i32) -> (i32, i32) {
    %c0_i32 = arith.constant 0 : i32
    %c0_i32_0 = arith.constant 0 : i32
    %c0_i32_1 = arith.constant 0 : i32
    return %c0_i32, %c0_i32_0 : i32, i32
  }
  func.func @transform_4(%arg0: i32) -> (i32, i32) {
    %c0_i32 = arith.constant 0 : i32
    %c0_i32_0 = arith.constant 0 : i32
    %c0_i32_1 = arith.constant 0 : i32
    return %c0_i32, %c0_i32_0 : i32, i32
  }
  func.func @transform_5(%arg0: i32) -> (i32, i32) {
    %c0_i32 = arith.constant 0 : i32
    %c0_i32_0 = arith.constant 0 : i32
    return %arg0, %c0_i32 : i32, i32
  }
}

module attributes {stable_mosaic.version = 14 : i64} {
  func.func @_tc_final_body(%arg0: i32, %arg1: memref<2x1024x64xf32, #tpu.memory_space<vmem>>, %arg2: memref<1024x64xf32, #tpu.memory_space<vmem>>, %arg3: memref<2x1024x16xf32, #tpu.memory_space<vmem>>, %arg4: memref<1x1x1024xi32, #tpu.memory_space<vmem>>, %arg5: memref<1x64xf32, #tpu.memory_space<vmem>>, %arg6: memref<64x128xf32, #tpu.memory_space<vmem>>, %arg7: memref<1x128xf32, #tpu.memory_space<vmem>>, %arg8: memref<64x128xf32, #tpu.memory_space<vmem>>, %arg9: memref<64x128xf32, #tpu.memory_space<vmem>>) attributes {dimension_semantics = [#tpu.dimension_semantics<arbitrary>], iteration_bounds = array<i64: 10>, scalar_prefetch = 0 : i64, scratch_operands = 1 : i64, tpu.core_type = #tpu.core_type<tc>, window_params = [{transform_indices = @transform_0, window_bounds = array<i64: 2, 1024, 64>}, {transform_indices = @transform_1, window_bounds = array<i64: 1024, 64>}, {transform_indices = @transform_2, window_bounds = array<i64: 2, 1024, 16>}, {transform_indices = @transform_3, window_bounds = array<i64: 1, 1, 1024>}, {pipeline_mode = #tpu.pipeline_mode<synchronous>, transform_indices = @transform_4, window_bounds = array<i64: 1, 64>}, {pipeline_mode = #tpu.pipeline_mode<synchronous>, transform_indices = @transform_5, window_bounds = array<i64: 64, 128>}, {pipeline_mode = #tpu.pipeline_mode<synchronous>, transform_indices = @transform_6, window_bounds = array<i64: 1, 128>}, {pipeline_mode = #tpu.pipeline_mode<synchronous>, transform_indices = @transform_7, window_bounds = array<i64: 64, 128>}]} {
    %eq3A = arith.constant 0 : i32
    %eq3A_0 = arith.cmpi eq, %arg0, %eq3A : i32
    %convert_element_type3A = arith.extui %eq3A_0 : i1 to i32
    %cond3A = arith.constant 0 : i32
    %cond3A_1 = arith.cmpi ne, %convert_element_type3A, %cond3A : i32
    scf.if %cond3A_1 {
      %broadcast_in_dim3A_61 = arith.constant 0.000000e+00 : f32
      %broadcast_in_dim3A_62 = vector.broadcast %broadcast_in_dim3A_61 : f32 to vector<64x128xf32>
      %swap3A_63 = arith.constant 0 : index
      %swap3A_64 = arith.constant 0 : index
      %swap3A_65 = vector.load %arg9[%swap3A_63, %swap3A_64] : memref<64x128xf32, #tpu.memory_space<vmem>>, vector<64x128xf32>
      tpu.vector_store %arg9[%swap3A_63, %swap3A_64], %broadcast_in_dim3A_62 {strides = array<i32>} : memref<64x128xf32, #tpu.memory_space<vmem>>, vector<64x128xf32>,
    } else {
    }
    %get3A = arith.constant 0 : index
    %get3A_2 = arith.constant 0 : index
    %get3A_3 = arith.constant 0 : index
    %get3A_4 = vector.load %arg3[%get3A, %get3A_2, %get3A_3] : memref<2x1024x16xf32, #tpu.memory_space<vmem>>, vector<1x1024x1xf32>
    %get3A_5 = vector.shape_cast %get3A_4 : vector<1x1024x1xf32> to vector<1024x1xf32>
    %add3A = arith.constant 1.000000e+00 : f32
    %add3A_6 = vector.broadcast %add3A : f32 to vector<1024x1xf32>
    %add3A_7 = arith.addf %add3A_6, %get3A_5 : vector<1024x1xf32>
    %get3A_8 = arith.constant 1 : index
    %get3A_9 = arith.constant 0 : index
    %get3A_10 = arith.constant 0 : index
    %get3A_11 = vector.load %arg3[%get3A_8, %get3A_9, %get3A_10] : memref<2x1024x16xf32, #tpu.memory_space<vmem>>, vector<1x1024x1xf32>
    %get3A_12 = vector.shape_cast %get3A_11 : vector<1x1024x1xf32> to vector<1024x1xf32>
    %add3A_13 = arith.addf %add3A_7, %get3A_12 : vector<1024x1xf32>
    %rsqrt3A = math.rsqrt %add3A_13 : vector<1024x1xf32>
    %get3A_14 = arith.constant 0 : index
    %get3A_15 = arith.constant 0 : index
    %get3A_16 = arith.constant 0 : index
    %get3A_17 = vector.load %arg1[%get3A_14, %get3A_15, %get3A_16] : memref<2x1024x64xf32, #tpu.memory_space<vmem>>, vector<1x1024x64xf32>
    %get3A_18 = vector.shape_cast %get3A_17 : vector<1x1024x64xf32> to vector<1024x64xf32>
    %get3A_19 = arith.constant 1 : index
    %get3A_20 = arith.constant 0 : index
    %get3A_21 = arith.constant 0 : index
    %get3A_22 = vector.load %arg1[%get3A_19, %get3A_20, %get3A_21] : memref<2x1024x64xf32, #tpu.memory_space<vmem>>, vector<1x1024x64xf32>
    %get3A_23 = vector.shape_cast %get3A_22 : vector<1x1024x64xf32> to vector<1024x64xf32>
    %add3A_24 = arith.addf %get3A_18, %get3A_23 : vector<1024x64xf32>
    %get3A_25 = arith.constant 0 : index
    %get3A_26 = arith.constant 0 : index
    %get3A_27 = vector.load %arg2[%get3A_25, %get3A_26] : memref<1024x64xf32, #tpu.memory_space<vmem>>, vector<1024x64xf32>
    %add3A_28 = arith.addf %add3A_24, %get3A_27 : vector<1024x64xf32>
    %mul3A = vector.broadcast %rsqrt3A : vector<1024x1xf32> to vector<1024x64xf32>
    %mul3A_29 = arith.mulf %mul3A, %add3A_28 : vector<1024x64xf32>
    %get3A_30 = arith.constant 0 : index
    %get3A_31 = arith.constant 0 : index
    %get3A_32 = vector.load %arg5[%get3A_30, %get3A_31] : memref<1x64xf32, #tpu.memory_space<vmem>>, vector<1x64xf32>
    %add3A_33 = vector.broadcast %get3A_32 : vector<1x64xf32> to vector<1024x64xf32>
    %add3A_34 = arith.addf %mul3A_29, %add3A_33 : vector<1024x64xf32>
    %iota3A = tpu.iota {dimensions = array<i32: 1>} : vector<1x64xi32>
    %get3A_35 = arith.constant 0 : index
    %get3A_36 = arith.constant 0 : index
    %get3A_37 = arith.constant 0 : index
    %get3A_38 = vector.load %arg4[%get3A_35, %get3A_36, %get3A_37] : memref<1x1x1024xi32, #tpu.memory_space<vmem>>, vector<1x1x1024xi32>
    %get3A_39 = vector.shape_cast %get3A_38 : vector<1x1x1024xi32> to vector<1024xi32>
    %broadcast_in_dim3A = vector.shape_cast %get3A_39 : vector<1024xi32> to vector<1024x1xi32>
    %eq3A_40 = vector.broadcast %broadcast_in_dim3A : vector<1024x1xi32> to vector<1024x64xi32>
    %eq3A_41 = vector.broadcast %iota3A : vector<1x64xi32> to vector<1024x64xi32>
    %eq3A_42 = arith.cmpi eq, %eq3A_40, %eq3A_41 : vector<1024x64xi32>
    %convert_element_type3A_43 = arith.extui %eq3A_42 : vector<1024x64xi1> to vector<1024x64xi32>
    %convert_element_type3A_44 = arith.sitofp %convert_element_type3A_43 : vector<1024x64xi32> to vector<1024x64xf32>
    %broadcast_in_dim3A_45 = arith.constant 1.000000e+00 : f32
    %broadcast_in_dim3A_46 = vector.broadcast %broadcast_in_dim3A_45 : f32 to vector<1024x8xf32>
    %broadcast_in_dim3A_47 = arith.constant 0.000000e+00 : f32
    %broadcast_in_dim3A_48 = vector.broadcast %broadcast_in_dim3A_47 : f32 to vector<1024x56xf32>
    %concatenate3A = tpu.concatenate %add3A_34, %broadcast_in_dim3A_46, %broadcast_in_dim3A_48 in 1 : vector<1024x64xf32>, vector<1024x8xf32>, vector<1024x56xf32> -> vector<1024x128xf32>
    %get3A_49 = arith.constant 0 : index
    %get3A_50 = arith.constant 0 : index
    %get3A_51 = vector.load %arg9[%get3A_49, %get3A_50] : memref<64x128xf32, #tpu.memory_space<vmem>>, vector<64x128xf32>
    %dot_general3A = arith.constant dense<0.000000e+00> : vector<64x128xf32>
    %dot_general3A_52 = tpu.matmul %convert_element_type3A_44, %concatenate3A, %dot_general3A {dimension_numbers = #tpu.dot_dimension_numbers<[0], [0], [1], [1], [0, 1, 1, 1], [], []>, transpose_lhs_hint = false} : vector<1024x64xf32>, vector<1024x128xf32>, vector<64x128xf32> -> vector<64x128xf32>
    %add3A_53 = arith.addf %get3A_51, %dot_general3A_52 : vector<64x128xf32>
    %swap3A = arith.constant 0 : index
    %swap3A_54 = arith.constant 0 : index
    %swap3A_55 = vector.load %arg9[%swap3A, %swap3A_54] : memref<64x128xf32, #tpu.memory_space<vmem>>, vector<64x128xf32>
    tpu.vector_store %arg9[%swap3A, %swap3A_54], %add3A_53 {strides = array<i32>} : memref<64x128xf32, #tpu.memory_space<vmem>>, vector<64x128xf32>,
    %eq3A_56 = arith.constant 9 : i32
    %eq3A_57 = arith.cmpi eq, %arg0, %eq3A_56 : i32
    %convert_element_type3A_58 = arith.extui %eq3A_57 : i1 to i32
    %cond3A_59 = arith.constant 0 : i32
    %cond3A_60 = arith.cmpi ne, %convert_element_type3A_58, %cond3A_59 : i32
    scf.if %cond3A_60 {
      %get3A_61 = arith.constant 0 : index
      %get3A_62 = arith.constant 0 : index
      %get3A_63 = vector.load %arg9[%get3A_61, %get3A_62] : memref<64x128xf32, #tpu.memory_space<vmem>>, vector<64x64xf32>
      %get3A_64 = arith.constant 0 : index
      %get3A_65 = arith.constant 64 : index
      %get3A_66 = vector.load %arg9[%get3A_64, %get3A_65] : memref<64x128xf32, #tpu.memory_space<vmem>>, vector<64x1xf32>
      %max3A = arith.constant 1.000000e+00 : f32
      %max3A_67 = vector.broadcast %max3A : f32 to vector<64x1xf32>
      %max3A_68 = arith.maximumf %get3A_66, %max3A_67 : vector<64x1xf32>
      %div3A = vector.broadcast %max3A_68 : vector<64x1xf32> to vector<64x64xf32>
      %div3A_69 = arith.divf %get3A_63, %div3A : vector<64x64xf32>
      %get3A_70 = arith.constant 0 : index
      %get3A_71 = arith.constant 0 : index
      %get3A_72 = vector.load %arg6[%get3A_70, %get3A_71] : memref<64x128xf32, #tpu.memory_space<vmem>>, vector<64x128xf32>
      %dot_general3A_73 = arith.constant dense<0.000000e+00> : vector<64x128xf32>
      %dot_general3A_74 = tpu.matmul %div3A_69, %get3A_72, %dot_general3A_73 {dimension_numbers = #tpu.dot_dimension_numbers<[1], [0], [0], [1], [0, 0, 1, 1], [], []>, transpose_lhs_hint = false} : vector<64x64xf32>, vector<64x128xf32>, vector<64x128xf32> -> vector<64x128xf32>
      %get3A_75 = arith.constant 0 : index
      %get3A_76 = arith.constant 0 : index
      %get3A_77 = vector.load %arg7[%get3A_75, %get3A_76] : memref<1x128xf32, #tpu.memory_space<vmem>>, vector<1x128xf32>
      %add3A_78 = vector.broadcast %get3A_77 : vector<1x128xf32> to vector<64x128xf32>
      %add3A_79 = arith.addf %dot_general3A_74, %add3A_78 : vector<64x128xf32>
      %reduce_max3A = arith.constant dense<0xFF800000> : vector<64xf32>
      %reduce_max3A_80 = vector.multi_reduction <maximumf>, %add3A_79, %reduce_max3A [1] : vector<64x128xf32> to vector<64xf32>
      %broadcast_in_dim3A_81 = vector.shape_cast %reduce_max3A_80 : vector<64xf32> to vector<64x1xf32>
      %sub3A = vector.broadcast %broadcast_in_dim3A_81 : vector<64x1xf32> to vector<64x128xf32>
      %sub3A_82 = arith.subf %add3A_79, %sub3A : vector<64x128xf32>
      %exp3A = math.exp %sub3A_82 : vector<64x128xf32>
      %reduce_sum3A = arith.constant dense<0.000000e+00> : vector<64xf32>
      %reduce_sum3A_83 = vector.multi_reduction <add>, %exp3A, %reduce_sum3A [1] : vector<64x128xf32> to vector<64xf32>
      %broadcast_in_dim3A_84 = vector.shape_cast %reduce_sum3A_83 : vector<64xf32> to vector<64x1xf32>
      %log3A = math.log %broadcast_in_dim3A_84 : vector<64x1xf32>
      %add3A_85 = arith.addf %log3A, %broadcast_in_dim3A_81 : vector<64x1xf32>
      %sub3A_86 = vector.broadcast %add3A_85 : vector<64x1xf32> to vector<64x128xf32>
      %sub3A_87 = arith.subf %add3A_79, %sub3A_86 : vector<64x128xf32>
      %swap3A_88 = arith.constant 0 : index
      %swap3A_89 = arith.constant 0 : index
      %swap3A_90 = vector.load %arg8[%swap3A_88, %swap3A_89] : memref<64x128xf32, #tpu.memory_space<vmem>>, vector<64x128xf32>
      tpu.vector_store %arg8[%swap3A_88, %swap3A_89], %sub3A_87 {strides = array<i32>} : memref<64x128xf32, #tpu.memory_space<vmem>>, vector<64x128xf32>,
    } else {
    }
    return
  }
  func.func @transform_0(%arg0: i32) -> (i32, i32, i32) {
    %c0_i32 = arith.constant 0 : i32
    %c0_i32_0 = arith.constant 0 : i32
    %c0_i32_1 = arith.constant 0 : i32
    return %c0_i32, %arg0, %c0_i32_0 : i32, i32, i32
  }
  func.func @transform_1(%arg0: i32) -> (i32, i32) {
    %c0_i32 = arith.constant 0 : i32
    %c0_i32_0 = arith.constant 0 : i32
    return %arg0, %c0_i32 : i32, i32
  }
  func.func @transform_2(%arg0: i32) -> (i32, i32, i32) {
    %c0_i32 = arith.constant 0 : i32
    %c0_i32_0 = arith.constant 0 : i32
    %c0_i32_1 = arith.constant 0 : i32
    return %c0_i32, %arg0, %c0_i32_0 : i32, i32, i32
  }
  func.func @transform_3(%arg0: i32) -> (i32, i32, i32) {
    %c0_i32 = arith.constant 0 : i32
    %c0_i32_0 = arith.constant 0 : i32
    %c0_i32_1 = arith.constant 0 : i32
    return %arg0, %c0_i32, %c0_i32_0 : i32, i32, i32
  }
  func.func @transform_4(%arg0: i32) -> (i32, i32) {
    %c0_i32 = arith.constant 0 : i32
    %c0_i32_0 = arith.constant 0 : i32
    %c0_i32_1 = arith.constant 0 : i32
    return %c0_i32, %c0_i32_0 : i32, i32
  }
  func.func @transform_5(%arg0: i32) -> (i32, i32) {
    %c0_i32 = arith.constant 0 : i32
    %c0_i32_0 = arith.constant 0 : i32
    %c0_i32_1 = arith.constant 0 : i32
    return %c0_i32, %c0_i32_0 : i32, i32
  }
  func.func @transform_6(%arg0: i32) -> (i32, i32) {
    %c0_i32 = arith.constant 0 : i32
    %c0_i32_0 = arith.constant 0 : i32
    %c0_i32_1 = arith.constant 0 : i32
    return %c0_i32, %c0_i32_0 : i32, i32
  }
  func.func @transform_7(%arg0: i32) -> (i32, i32) {
    %c0_i32 = arith.constant 0 : i32
    %c0_i32_0 = arith.constant 0 : i32
    %c0_i32_1 = arith.constant 0 : i32
    return %c0_i32, %c0_i32_0 : i32, i32
  }
}

</mosaic_0001>

<sc_bundles>
// kernel: kernel.11.cloned.1.call-start
scs
__scs_entry_jumppad:
0x0: {  	(pc) =	sbr.rel $0x88, $3  }
0x1: {  	(tag) =	ssettag $0x0;
	lr =	simm.s32 $0x1  }
0x2: {  	[smem:$0x3F98] =	sst lr;
	_ =	strace $0xD0000000  }
0x3: {  	_ = 	snop  }
0x4: {  	_ = 	snop  }
0x5: {  	_ = 	snop  }
0x6: {  	_ = 	snop  }
0x7: {  	_ = 	snop  }
__scs_overlays_trampoline_lowered:
0x8: {  	[smem:$0x3FA7] =	sst s0  }
0x9: {  	[smem:$0x3FA8] =	sst s1  }
0xa: {  	[smem:$0x3FA9] =	sst s2  }
0xb: {  	[smem:$0x3FAA] =	sst s3  }
0xc: {  	[smem:$0x3FAB] =	sst s4  }
0xd: {  	[smem:$0x3FAC] =	sst s5  }
0xe: {  	[smem:$0x3FAD] =	sst s6  }
0xf: {  	[smem:$0x3FAE] =	sst s7  }
0x10: {  	[smem:$0x3FAF] =	sst s8  }
0x11: {  	[smem:$0x3FB0] =	sst s9;
	s0 =	simm.s32 @!p0 $0x0  }
0x12: {  	s1 =	sld [smem:$0x3F96];
	s0 =	simm.s32 @p0 $0x1  }
0x13: {  	[smem:$0x3FB1] =	sst s0;
	s0 =	simm.s32 @!p1 $0x0  }
0x14: {  	s2 =	sld [smem:$0x3F95];
	s0 =	simm.s32 @p1 $0x1  }
0x15: {  	[smem:$0x3FB2] =	sst s0;
	s0 =	simm.s32 @!p2 $0x0  }
0x16: {  	s3 =	sld [smem:$0x3FDB];
	s0 =	simm.s32 @p2 $0x1  }
0x17: {  	s4 =	simm.s32 $0x1BF5;
	[smem:$0x3FB4] =	sst s0  }
0x18: {  	s0 =	sld [smem:$0x3F97];
	_ =	swait.ge [sflag:s4], $0x0  }
0x19: {  	s7 =	sld [smem:$0x3F98]  }
0x1a: {  	s8 =	sadd.s32 $0xFFFFE003, lr  }
0x1b: {  	s9 =	sadd.s32 $0xFFFFFEF7, lr;
	s5 =	simm.s32 $0xFFFFFFFF;
	p2 =	slt.u32 s8, $0xFFFFF086  }
0x1c: {  	p1 =	slt.u32 s9, $0xF7A;
	s5 =	simm.s32 @!p2 $0x0  }
0x1d: {  	s5 =	simm.s32 @p1 $0x1;
	p0 =	seq.s32 s7, s2  }
0x1e: {  	s7 =	smul.u32 @!p0 $0xF7A, s2;
	p2 =	seq.s32 @!p0 s5, $0x0  }
0x1f: {  	s9 =	smul.u32 $0xF7A, s1;
	s8 =	simm.s32 @!p0 $0x1BF5;
	p2 =	por !p2, p0  }
0x20: {  	[sflag:s8] =	ssyncset.s32 @!p0 $0xFFFFF086;
	s6 =	sadd.s32 @!p0 s3, s7;
	s7 =	simm.s32 @!p0 $0x108  }
0x21: {  	s3 =	sadd.s32 s3, s9;
	s6 =	sadd.s32 @!p0 $0x88, s6;
	s7 =	simm.s32 @p2 $0x1082  }
0x22: {  	[simem:s7], [sflag:s8] =	dma.local @!p0 [hbm:s6], $0xF7A  }
0x23: {  	s9 =	sor.u32 $0xD0000000, s2;
	s6 =	simm.s32 $0x108;
	_ =	swait.ge @!p0 [sflag:s8], $0x0  }
0x24: {  	s3 =	sadd.s32 $0x88, s3;
	s6 =	simm.s32 @!p1 $0x1082;
	[sflag:s4] =	ssyncset.s32 $0xFFFFF086  }
0x25: {  	[simem:s6], [sflag:s4] =	dma.local [hbm:s3], $0xF7A  }
0x26: {  	[smem:$0x3F98] =	sst s1;
	(tag) =	ssettag s2;
	_ =	strace s9  }
0x27: {  	s1 =	sld [smem:$0x3FA8]  }
0x28: {  	s2 =	sld [smem:$0x3FA9]  }
0x29: {  	s4 =	sld [smem:$0x3FAB]  }
0x2a: {  	p0 =	seq.s32 s5, $0x0;
	s5 =	sld [smem:$0x3FAC]  }
0x2b: {  	s6 =	sld [smem:$0x3FAD]  }
0x2c: {  	s7 =	sld [smem:$0x3FAE]  }
0x2d: {  	s3 =	simm.s32 $0x108;
	s8 =	sld [smem:$0x3FAF]  }
0x2e: {  	s3 =	simm.s32 @!p0 $0x1082;
	s9 =	sld [smem:$0x3FB0]  }
0x2f: {  	lr =	sadd.s32 s0, s3;
	s0 =	sld [smem:$0x3FA7]  }
0x30: {  	s3 =	sld [smem:$0x3FAA]  }
0x31: {  	[smem:$0x3FB3] =	sst s10  }
0x32: {  	s10 =	sld [smem:$0x3FB1];
	_ =	sdelay $0x3  }
0x33: {  	p0 =	seq.s32 s10, $0x1;
	s10 =	sld [smem:$0x3FB3];
	_ =	sdelay $0x3  }
0x34: {  	[smem:$0x3FB3] =	sst s10  }
0x35: {  	s10 =	sld [smem:$0x3FB2];
	_ =	sdelay $0x3  }
0x36: {  	p1 =	seq.s32 s10, $0x1;
	s10 =	sld [smem:$0x3FB3];
	_ =	sdelay $0x3  }
0x37: {  	[smem:$0x3FB3] =	sst s10  }
0x38: {  	s10 =	sld [smem:$0x3FB4]  }
0x39: {  	_ = 	snop;
	(pc) =	sbr.ind lr, $3  }
0x3a: {  	_ = 	snop  }
0x3b: {  	_ = 	snop  }
0x3c: {  	p2 =	seq.s32 s10, $0x1;
	s10 =	sld [smem:$0x3FB3]  }
0x3d: {  	_ =	shalt  }
0x3e: {  	_ =	shalt  }
0x3f: {  	_ =	shalt  }
0x40: {  	_ =	shalt  }
0x41: {  	_ =	shalt  }
0x42: {  	_ =	shalt  }
0x43: {  	_ =	shalt  }
0x44: {  	_ =	shalt  }
0x45: {  	_ =	shalt  }
0x46: {  	_ =	shalt  }
0x47: {  	_ =	shalt  }
0x48: {  	_ =	shalt  }
0x49: {  	_ =	shalt  }
0x4a: {  	_ =	shalt  }
0x4b: {  	_ =	shalt  }
0x4c: {  	_ =	shalt  }
0x4d: {  	_ =	shalt  }
0x4e: {  	_ =	shalt  }
0x4f: {  	_ =	shalt  }
0x50: {  	_ =	shalt  }
0x51: {  	_ =	shalt  }
0x52: {  	_ =	shalt  }
0x53: {  	_ =	shalt  }
0x54: {  	_ =	shalt  }
0x55: {  	_ =	shalt  }
0x56: {  	_ =	shalt  }
0x57: {  	_ =	shalt  }
0x58: {  	_ =	shalt  }
0x59: {  	_ =	shalt  }
0x5a: {  	_ =	shalt  }
0x5b: {  	_ =	shalt  }
0x5c: {  	_ =	shalt  }
0x5d: {  	_ =	shalt  }
0x5e: {  	_ =	shalt  }
0x5f: {  	_ =	shalt  }
0x60: {  	_ =	shalt  }
0x61: {  	_ =	shalt  }
0x62: {  	_ =	shalt  }
0x63: {  	_ =	shalt  }
0x64: {  	_ =	shalt  }
0x65: {  	_ =	shalt  }
0x66: {  	_ =	shalt  }
0x67: {  	_ =	shalt  }
0x68: {  	_ =	shalt  }
0x69: {  	_ =	shalt  }
0x6a: {  	_ =	shalt  }
0x6b: {  	_ =	shalt  }
0x6c: {  	_ =	shalt  }
0x6d: {  	_ =	shalt  }
0x6e: {  	_ =	shalt  }
0x6f: {  	_ =	shalt  }
0x70: {  	_ =	shalt  }
0x71: {  	_ =	shalt  }
0x72: {  	_ =	shalt  }
0x73: {  	_ =	shalt  }
0x74: {  	_ =	shalt  }
0x75: {  	_ =	shalt  }
0x76: {  	_ =	shalt  }
0x77: {  	_ =	shalt  }
0x78: {  	_ =	shalt  }
0x79: {  	_ =	shalt  }
0x7a: {  	_ =	shalt  }
0x7b: {  	_ =	shalt  }
0x7c: {  	_ =	shalt  }
0x7d: {  	_ =	shalt  }
0x7e: {  	_ =	shalt  }
0x7f: {  	_ =	shalt  }
0x80: {  	_ =	shalt  }
0x81: {  	_ =	shalt  }
0x82: {  	_ =	shalt  }
0x83: {  	_ =	shalt  }
0x84: {  	_ =	shalt  }
0x85: {  	_ =	shalt  }
0x86: {  	_ =	shalt  }
0x87: {  	_ =	shalt  }
.Lfunc_end0:
.L_simem_size_0:
called_computation.1_lowered:
.L_overlay_start_0:
0x88: {  	s2 =	sld [smem:$0x3FD9]  }
0x89: {  	s3 =	sld [smem:$0x3FFE];
	_ =	sdelay $0x1  }
0x8a: {  	s1 =	srdreg.scid  }
0x8b: {  	s0 =	sand.u32 $0x1, s1  }
0x8c: {  	s16 =	sshll.u32 s0, $0xA;
	s2 =	sadd.s32 s3, s2  }
0x8d: {  	s2 =	sadd.s32 s2, s16  }
0x8e: {  	[smem:$0x3FBF] =	sst s2  }
0x8f: {  	_ = 	snop  }
0x90: {  	(tm) =	ssettm $0x1  }
0x91: {  	s17 =	sld [smem:$0x3FFB];
	_ =	sdelay $0x3  }
0x92: {  	_ =	strace s17  }
0x93: {  	s2 =	sld [smem:$0x3FFC];
	_ =	sdelay $0x3  }
0x94: {  	_ =	strace s2  }
0x95: {  	s2 =	sld [smem:$0x3FFD];
	_ =	sdelay $0x3  }
0x96: {  	_ =	strace s2  }
0x97: {  	_ =	strace $0x8FFFFFFF  }
0x98: {  	s18 =	sld [smem:$0x3FDB];
	_ =	sdelay $0x1  }
0x99: {  	s19 =	simm.s32 $_scs_section_size  }
0x9a: {  	s4 =	simm.s32 $_size__tile_overlayer_lowered;
	s5 =	simm.s32 $_tile_overlayer_lowered  }
0x9b: {  	s22 =	simm.s32 $0x1BFF;
	s21 =	sshll.u32 s5, $0x1;
	s2 =	sadd.s32 s19, s18  }
0x9c: {  	s6 =	simm.s32 $0x0;
	s20 =	sshll.u32 s4, $0x1;
	s4 =	sadd.s32 s21, s2  }
0x9d: {  	[timem:s6], [sflag:s22] =	dma.local [hbm:s4], s20  }
0x9e: {  	_ =	swait.ge [sflag:s22], s20  }
0x9f: {  	s3 =	ssub.s32 $0x0, s20;
	[sflag:s22] =	ssyncset.done $0x0  }
0xa0: {  	[sflag:s22] =	ssyncadd.s32 s3;
	_ =	sdelay $0x1  }
0xa1: {  	s23 =	simm.s32 $0x1B8B  }
0xa2: {  	_ =	swait.ge [sflag:s23], $0x1  }
0xa3: {  	[sflag:s23] =	ssyncset.done $0x0  }
0xa4: {  	s25 =	simm.s32 $0x1B8E;
	s24 =	sld [smem:$0x3FFE];
	[sflag:s23] =	ssyncadd.s32 $0xFFFFFFFF  }
0xa5: {  	s26 =	simm.s32 $execute0_lowered;
	[smem:$0x3FD2] =	sst s25  }
0xa6: {  	s4 =	sshll.u32 s26, $0x1;
	_ =	strace $0x80000049;
	[dreg:$0x1] =	wrdreg $0xFFFFFFFF  }
0xa7: {  	s28 =	simm.s32 $_size_execute0_lowered;
	s2 =	sadd.s32 s2, s4;
	[dreg:$0x0] =	wrdreg $0x0  }
0xa8: {  	s4 =	sshll.u32 s28, $0x1;
	[dreg:$0x2] =	wrdreg s2  }
0xa9: {  	[dreg:$0x3] =	wrdreg s4  }
0xaa: {  	[dreg:$0x4] =	wrdreg $0xC0  }
0xab: {  	_ =	task [dreg:s6], $0x5FFFF  }
0xac: {  	[dreg:$0x1] =	wrdreg $0xFFFFFFFF  }
0xad: {  	[dreg:$0x0] =	wrdreg $0x60  }
0xae: {  	[dreg:$0x2] =	wrdreg s24  }
0xaf: {  	[dreg:$0x3] =	wrdreg $0x132000  }
0xb0: {  	[dreg:$0x4] =	wrdreg $0x92000  }
0xb1: {  	[dreg:$0x5] =	wrdreg $0x9  }
0xb2: {  	_ =	task.clear_ibuf [dreg:s6], $0x6FFFF;
	_ =	strace $0x90000049  }
0xb3: {  	s29 =	simm.s32 $0x9;
	_ =	strace $0x8000004B  }
0xb4: {  	_ =	swait.ge [sflag:s29], $0x1  }
0xb5: {  	[sflag:s29] =	ssyncadd.s32 $0xFFFFFFFF  }
0xb6: {  	_ =	strace $0x9000004B  }
0xb7: {  	_ =	sfence  }
0xb8: {  	s30 =	sld [smem:$0x0];
	_ =	sdelay $0x2  }
0xb9: {  	s31 =	sshll.u32 s1, $0xD;
	s1 =	sshrl.u32 s1, $0x2  }
0xba: {  	s3 =	sand.u32 $0x4000, s31;
	s1 =	sadd.s32 s1, s30  }
0xbb: {  	s0 =	sor.u32 s3, s0;
	s1 =	sshll.u32 s1, $0x11  }
0xbc: {  	s0 =	sor.u32 s1, s0  }
0xbd: {  	s0 =	sadd.s32 $0x8F2B, s0  }
0xbe: {  	[sflag:s0] =	ssyncadd.remote.s32 $0x1  }
0xbf: {  	_ =	sfence.sel $0xFFFF  }
0xc0: {  	[dreg:$0x0] =	wrdreg $0xFFFFFFFF;
	(pc) =	sbr.abs _section_cstart, $3  }
0xc1: {  	[dreg:$0x1] =	wrdreg $0xFFFFFFFF  }
0xc2: {  	_ =	task.clear_ibuf [dreg:s6], $0x2FFFF;
	_ =	strace $0x9FFFFFFF  }
0xc3: {  	(tm) =	ssettm $0x7FFFFFFF  }
tec
execute0_lowered:
.L_overlay_start_1:
0x0: {  	(tag) =	ssettag $0x1  }
0x1: {  	s6 =	rddreg [dreg:$0x0]  }
0x2: {  	s2 =	rddreg [dreg:$0x1]  }
0x3: {  	s3 =	rddreg [dreg:$0x2]  }
0x4: {  	s0 =	rddreg [dreg:$0x3]  }
0x5: {  	s1 =	stileid.u32;
	s4 =	srdreg.scid  }
0x6: {  	s16 =	simm.s32 $0x100;
	s17 =	simm.s32 $0x5200;
	s18 =	simm.s32 $0x1  }
0x7: {  	s19 =	simm.s32 $0x0;
	s7 =	smul.u32 $0xA000, s1;
	s5 =	sand.u32 $0x1, s4  }
0x8: {  	s8 =	sshll.u32 s1, $0x1;
	s4 =	simm.s32 $0x0;
	s31 =	sshll.u32 s1, $0x6  }
0x9: {  	s8 =	sor.u32 s5, s8;
	s9 =	smul.u32 $0xA0000, s5;
	[smem:$0x7FF] =	sst s4  }
0xa: {  	s29 =	ssub.s32 $0x2, s5;
	s5 =	sadd.s32 $0xBE00, s6;
	s10 =	sshrl.u32 s7, $0x3  }
0xb: {  	s8 =	smul.u32 $0x520, s8;
	_ =	strace $0x8000004A;
	s30 =	sshrl.u32 s29, $0x1  }
0xc: {  	s14 =	sadd.s32 s7, s2;
	s15 =	sadd.s32 s7, s3;
	s9 =	sadd.s32 s7, s9  }
0xd: {  	s10 =	sadd.s32 s10, s6;
	s13 =	ssub.s32 s29, s30;
	s28 =	sshrl.u32 s9, $0x3  }
0xe: {  	s11 =	sadd.s32 s8, s6;
	s7 =	sadd.s32 $0x98A00, s10;
	s12 =	sadd.s32 s28, s6  }
0xf: {  	s6 =	sor.u32 $0x1C02, s31;
	s8 =	sadd.s32 $0x16600, s11;
	s9 =	sadd.s32 $0x1A00, s11  }
0x10: {  	s11 =	smax.u32 s13, $0x1;
	s13 =	simm.s32 $0x2;
	s10 =	sadd.s32 $0xACA00, s12  }
0x11: {  	s12 =	sshrl.u32 s14, $0x3;
	s14 =	sshrl.u32 s15, $0x3;
	s15 =	simm.s32 $0x2900  }
.LBB2_1:
0x12: {  	[spmem:s12], [sflag:s6] =	dma.local [hbm:s5], $0x1400  }
0x13: {  	_ =	swait.ge [sflag:s13], $0x1400  }
0x14: {  	[sflag:s13] =	ssyncset.done $0x0  }
0x15: {  	[sflag:s13] =	ssyncadd.s32 $0xFFFFEC00  }
0x16: {  	[spmem:s14], [sflag:s6] =	dma.local [hbm:s7], $0x1400  }
0x17: {  	_ =	swait.ge [sflag:s13], $0x1400  }
0x18: {  	[sflag:s13] =	ssyncset.done $0x0  }
0x19: {  	[sflag:s13] =	ssyncadd.s32 $0xFFFFEC00  }
0x1a: {  	[tilespmem:s4], [sflag:$0x2] =	stream.linear.gather [hbm4b:s8+s4], $0x2900, $0x38;
	[tilespmem:$0x1D200] =	vst v63  }
0x1b: {  	_ =	swait.ge [sflag:s13], $0x2900  }
0x1c: {  	[sflag:s13] =	ssyncset.done $0x0  }
0x1d: {  	[sflag:s13] =	ssyncadd.s32 $0xFFFFD700  }
0x1e: {  	[tilespmem:s15], [sflag:$0x2] =	stream.linear.gather [hbm4b:s9+s4], $0x2900, $0x38;
	[tilespmem:$0x1D200] =	vst v63  }
0x1f: {  	_ =	swait.ge [sflag:s13], $0x2900  }
0x20: {  	[sflag:s13] =	ssyncset.done $0x0  }
0x21: {  	[sflag:s13] =	ssyncadd.s32 $0xFFFFD700  }
0x22: {  	s20 =	simm.s32 $0x0;
	[bflag:$0x0] =	sbarrier.arrive $0xFFFF  }
0x23: {  	[tilespmem:s17], [sflag:$0x1] =	stream.indirect.gather [spmem:s3], $0x40, s20, s16, $0xb8;
	[tilespmem:$0x1D200] =	vst v63  }
0x24: {  	_ =	swait.ge [sflag:s18], $0x4000  }
0x25: {  	[sflag:s18] =	ssyncset.done $0x0  }
0x26: {  	s31 =	simm.s32 $0x2900;
	[sflag:s18] =	ssyncadd.s32 $0xFFFFC000  }
0x27: {  	[spmem:s2] =	stream.indirect.scatter.add.f32 [tilespmem:s17], [sflag:$0x2], $0x40, s31, s16, $0xb8;
	[tilespmem:$0x1D200] =	vst v63  }
0x28: {  	_ =	swait.ge [sflag:s13], $0x4000  }
0x29: {  	s21 =	simm.s32 $0x800;
	s20 =	simm.s32 $0x400;
	[sflag:s13] =	ssyncset.done $0x0  }
.LBB2_2:
0x2a: {  	s22 =	sshra.s32 s20, $0x2  }
0x2b: {  	[sflag:s13] =	ssyncadd.s32 $0xFFFFC000;
	s20 =	smov.u32 s21;
	s23 =	sadd.s32 $0x400, s21  }
0x2c: {  	[tilespmem:s17], [sflag:$0x1] =	stream.indirect.gather [spmem:s3], $0x40, s22, s16, $0xb8;
	[tilespmem:$0x1D200] =	vst v63  }
0x2d: {  	p0 =	sne.s32 s21, $0x9C00;
	_ =	swait.ge [sflag:s18], $0x4000  }
.Ltmp0:
0x2e: {  	[sflag:s18] =	ssyncset.done $0x0;
	(pc) =	sbr.rel @p0 .LBB2_2-.Ltmp0, $4  }
0x2f: {  	s21 =	sadd.s32 $0x2900, s22;
	[sflag:s18] =	ssyncadd.s32 $0xFFFFC000  }
0x30: {  	[spmem:s2] =	stream.indirect.scatter.add.f32 [tilespmem:s17], [sflag:$0x2], $0x40, s21, s16, $0xb8;
	[tilespmem:$0x1D200] =	vst v63  }
0x31: {  	_ =	swait.ge [sflag:s13], $0x4000  }
0x32: {  	s21 =	smov.u32 s23;
	[sflag:s13] =	ssyncset.done $0x0  }
0x33: {  	s20 =	sshra.s32 s20, $0x2;
	[sflag:s13] =	ssyncadd.s32 $0xFFFFC000  }
0x34: {  	[tilespmem:s17], [sflag:$0x1] =	stream.indirect.gather [spmem:s3], $0x40, s20, s16, $0xb8;
	[tilespmem:$0x1D200] =	vst v63  }
0x35: {  	_ =	swait.ge [sflag:s18], $0x4000  }
0x36: {  	[sflag:s18] =	ssyncset.done $0x0  }
0x37: {  	s20 =	sadd.s32 $0x2900, s20;
	[sflag:s18] =	ssyncadd.s32 $0xFFFFC000  }
0x38: {  	[spmem:s2] =	stream.indirect.scatter.add.f32 [tilespmem:s17], [sflag:$0x2], $0x40, s20, s16, $0xb8;
	[tilespmem:$0x1D200] =	vst v63  }
0x39: {  	_ =	swait.ge [sflag:s13], $0x4000  }
0x3a: {  	s19 =	sadd.s32 $0x1, s19;
	[sflag:s13] =	ssyncset.done $0x0  }
0x3b: {  	p0 =	sne.s32 s19, s11;
	[sflag:s13] =	ssyncadd.s32 $0xFFFFC000  }
.Ltmp1:
0x3c: {  	[bflag:$0x0] =	sbarrier.arrive $0xFFFF;
	(pc) =	sbr.rel @p0 .LBB2_1-.Ltmp1, $4  }
0x3d: {  	[hbm:s10], [sflag:s6] =	dma.local [spmem:s12], $0x1400  }
0x3e: {  	_ =	swait.ge [sflag:s13], $0x1400  }
0x3f: {  	[sflag:s13] =	ssyncset.done $0x0  }
0x40: {  	[sflag:s13] =	ssyncadd.s32 $0xFFFFEC00  }
0x41: {  	_ =	sfence.sel $0x180000  }
0x42: {  	[bflag:$0x0] =	sbarrier.arrive $0xFFFF  }
0x43: {  	p0 =	sne.s32 s1, $0x0;
	_ =	strace $0x9000004A  }
0x44: {  	s0 =	sadd.s32 @!p0 $0x100000, s0;
	[bflag:$0x2] =	sbarrier.arrive $0xFFFF  }
0x45: {  	[sflag:s0] =	ssyncadd.tile.s32 @!p0 $0x1;
	_ =	shalt  }
.Lfunc_end2:
_tile_overlayer_lowered:
.L_overlay_start_2:
0x46: {  	(tag) =	ssettag $0x2  }
0x47: {  	s0 =	rddreg [dreg:$0x0];
	s2 =	stileid.u32  }
0x48: {  	s1 =	rddreg [dreg:$0x1];
	p0 =	sne.s32 s2, $0x0  }
0x49: {  	s3 =	rddreg [dreg:$0x2];
	[bflag:$0x3] =	sbarrier.arrive $0xFFFF;
	s2 =	simm.s32 @!p0 $0x1C02  }
0x4a: {  	[timem:s3], [sflag:s2] =	dma.local @!p0 [hbm:s0], s1  }
0x4b: {  	s0 =	simm.s32 @!p0 $0x2  }
0x4c: {  	_ =	swait.ge @!p0 [sflag:s0], s1  }
0x4d: {  	s1 =	ssub.s32 @!p0 $0x0, s1;
	[sflag:s0] =	ssyncset.done @!p0 $0x0  }
0x4e: {  	[sflag:s0] =	ssyncadd.s32 @!p0 s1  }
0x4f: {  	[bflag:$0x3] =	sbarrier.arrive $0xFFFF  }
0x50: {  	_ =	shalt  }

// kernel: kernel.14.cloned.1.call-start
scs
__scs_entry_jumppad:
0x0: {  	(pc) =	sbr.rel $0x88, $3  }
0x1: {  	(tag) =	ssettag $0x0;
	lr =	simm.s32 $0x1  }
0x2: {  	[smem:$0x3F98] =	sst lr;
	_ =	strace $0xD0000000  }
0x3: {  	_ = 	snop  }
0x4: {  	_ = 	snop  }
0x5: {  	_ = 	snop  }
0x6: {  	_ = 	snop  }
0x7: {  	_ = 	snop  }
__scs_overlays_trampoline_lowered:
0x8: {  	[smem:$0x3FA7] =	sst s0  }
0x9: {  	[smem:$0x3FA8] =	sst s1  }
0xa: {  	[smem:$0x3FA9] =	sst s2  }
0xb: {  	[smem:$0x3FAA] =	sst s3  }
0xc: {  	[smem:$0x3FAB] =	sst s4  }
0xd: {  	[smem:$0x3FAC] =	sst s5  }
0xe: {  	[smem:$0x3FAD] =	sst s6  }
0xf: {  	[smem:$0x3FAE] =	sst s7  }
0x10: {  	[smem:$0x3FAF] =	sst s8  }
0x11: {  	[smem:$0x3FB0] =	sst s9;
	s0 =	simm.s32 @!p0 $0x0  }
0x12: {  	s1 =	sld [smem:$0x3F96];
	s0 =	simm.s32 @p0 $0x1  }
0x13: {  	[smem:$0x3FB1] =	sst s0;
	s0 =	simm.s32 @!p1 $0x0  }
0x14: {  	s2 =	sld [smem:$0x3F95];
	s0 =	simm.s32 @p1 $0x1  }
0x15: {  	[smem:$0x3FB2] =	sst s0;
	s0 =	simm.s32 @!p2 $0x0  }
0x16: {  	s3 =	sld [smem:$0x3FDB];
	s0 =	simm.s32 @p2 $0x1  }
0x17: {  	s4 =	simm.s32 $0x1BF5;
	[smem:$0x3FB4] =	sst s0  }
0x18: {  	s0 =	sld [smem:$0x3F97];
	_ =	swait.ge [sflag:s4], $0x0  }
0x19: {  	s7 =	sld [smem:$0x3F98]  }
0x1a: {  	s8 =	sadd.s32 $0xFFFFE003, lr  }
0x1b: {  	s9 =	sadd.s32 $0xFFFFFEF7, lr;
	s5 =	simm.s32 $0xFFFFFFFF;
	p2 =	slt.u32 s8, $0xFFFFF086  }
0x1c: {  	p1 =	slt.u32 s9, $0xF7A;
	s5 =	simm.s32 @!p2 $0x0  }
0x1d: {  	s5 =	simm.s32 @p1 $0x1;
	p0 =	seq.s32 s7, s2  }
0x1e: {  	s7 =	smul.u32 @!p0 $0xF7A, s2;
	p2 =	seq.s32 @!p0 s5, $0x0  }
0x1f: {  	s9 =	smul.u32 $0xF7A, s1;
	s8 =	simm.s32 @!p0 $0x1BF5;
	p2 =	por !p2, p0  }
0x20: {  	[sflag:s8] =	ssyncset.s32 @!p0 $0xFFFFF086;
	s6 =	sadd.s32 @!p0 s3, s7;
	s7 =	simm.s32 @!p0 $0x108  }
0x21: {  	s3 =	sadd.s32 s3, s9;
	s6 =	sadd.s32 @!p0 $0x88, s6;
	s7 =	simm.s32 @p2 $0x1082  }
0x22: {  	[simem:s7], [sflag:s8] =	dma.local @!p0 [hbm:s6], $0xF7A  }
0x23: {  	s9 =	sor.u32 $0xD0000000, s2;
	s6 =	simm.s32 $0x108;
	_ =	swait.ge @!p0 [sflag:s8], $0x0  }
0x24: {  	s3 =	sadd.s32 $0x88, s3;
	s6 =	simm.s32 @!p1 $0x1082;
	[sflag:s4] =	ssyncset.s32 $0xFFFFF086  }
0x25: {  	[simem:s6], [sflag:s4] =	dma.local [hbm:s3], $0xF7A  }
0x26: {  	[smem:$0x3F98] =	sst s1;
	(tag) =	ssettag s2;
	_ =	strace s9  }
0x27: {  	s1 =	sld [smem:$0x3FA8]  }
0x28: {  	s2 =	sld [smem:$0x3FA9]  }
0x29: {  	s4 =	sld [smem:$0x3FAB]  }
0x2a: {  	p0 =	seq.s32 s5, $0x0;
	s5 =	sld [smem:$0x3FAC]  }
0x2b: {  	s6 =	sld [smem:$0x3FAD]  }
0x2c: {  	s7 =	sld [smem:$0x3FAE]  }
0x2d: {  	s3 =	simm.s32 $0x108;
	s8 =	sld [smem:$0x3FAF]  }
0x2e: {  	s3 =	simm.s32 @!p0 $0x1082;
	s9 =	sld [smem:$0x3FB0]  }
0x2f: {  	lr =	sadd.s32 s0, s3;
	s0 =	sld [smem:$0x3FA7]  }
0x30: {  	s3 =	sld [smem:$0x3FAA]  }
0x31: {  	[smem:$0x3FB3] =	sst s10  }
0x32: {  	s10 =	sld [smem:$0x3FB1];
	_ =	sdelay $0x3  }
0x33: {  	p0 =	seq.s32 s10, $0x1;
	s10 =	sld [smem:$0x3FB3];
	_ =	sdelay $0x3  }
0x34: {  	[smem:$0x3FB3] =	sst s10  }
0x35: {  	s10 =	sld [smem:$0x3FB2];
	_ =	sdelay $0x3  }
0x36: {  	p1 =	seq.s32 s10, $0x1;
	s10 =	sld [smem:$0x3FB3];
	_ =	sdelay $0x3  }
0x37: {  	[smem:$0x3FB3] =	sst s10  }
0x38: {  	s10 =	sld [smem:$0x3FB4]  }
0x39: {  	_ = 	snop;
	(pc) =	sbr.ind lr, $3  }
0x3a: {  	_ = 	snop  }
0x3b: {  	_ = 	snop  }
0x3c: {  	p2 =	seq.s32 s10, $0x1;
	s10 =	sld [smem:$0x3FB3]  }
0x3d: {  	_ =	shalt  }
0x3e: {  	_ =	shalt  }
0x3f: {  	_ =	shalt  }
0x40: {  	_ =	shalt  }
0x41: {  	_ =	shalt  }
0x42: {  	_ =	shalt  }
0x43: {  	_ =	shalt  }
0x44: {  	_ =	shalt  }
0x45: {  	_ =	shalt  }
0x46: {  	_ =	shalt  }
0x47: {  	_ =	shalt  }
0x48: {  	_ =	shalt  }
0x49: {  	_ =	shalt  }
0x4a: {  	_ =	shalt  }
0x4b: {  	_ =	shalt  }
0x4c: {  	_ =	shalt  }
0x4d: {  	_ =	shalt  }
0x4e: {  	_ =	shalt  }
0x4f: {  	_ =	shalt  }
0x50: {  	_ =	shalt  }
0x51: {  	_ =	shalt  }
0x52: {  	_ =	shalt  }
0x53: {  	_ =	shalt  }
0x54: {  	_ =	shalt  }
0x55: {  	_ =	shalt  }
0x56: {  	_ =	shalt  }
0x57: {  	_ =	shalt  }
0x58: {  	_ =	shalt  }
0x59: {  	_ =	shalt  }
0x5a: {  	_ =	shalt  }
0x5b: {  	_ =	shalt  }
0x5c: {  	_ =	shalt  }
0x5d: {  	_ =	shalt  }
0x5e: {  	_ =	shalt  }
0x5f: {  	_ =	shalt  }
0x60: {  	_ =	shalt  }
0x61: {  	_ =	shalt  }
0x62: {  	_ =	shalt  }
0x63: {  	_ =	shalt  }
0x64: {  	_ =	shalt  }
0x65: {  	_ =	shalt  }
0x66: {  	_ =	shalt  }
0x67: {  	_ =	shalt  }
0x68: {  	_ =	shalt  }
0x69: {  	_ =	shalt  }
0x6a: {  	_ =	shalt  }
0x6b: {  	_ =	shalt  }
0x6c: {  	_ =	shalt  }
0x6d: {  	_ =	shalt  }
0x6e: {  	_ =	shalt  }
0x6f: {  	_ =	shalt  }
0x70: {  	_ =	shalt  }
0x71: {  	_ =	shalt  }
0x72: {  	_ =	shalt  }
0x73: {  	_ =	shalt  }
0x74: {  	_ =	shalt  }
0x75: {  	_ =	shalt  }
0x76: {  	_ =	shalt  }
0x77: {  	_ =	shalt  }
0x78: {  	_ =	shalt  }
0x79: {  	_ =	shalt  }
0x7a: {  	_ =	shalt  }
0x7b: {  	_ =	shalt  }
0x7c: {  	_ =	shalt  }
0x7d: {  	_ =	shalt  }
0x7e: {  	_ =	shalt  }
0x7f: {  	_ =	shalt  }
0x80: {  	_ =	shalt  }
0x81: {  	_ =	shalt  }
0x82: {  	_ =	shalt  }
0x83: {  	_ =	shalt  }
0x84: {  	_ =	shalt  }
0x85: {  	_ =	shalt  }
0x86: {  	_ =	shalt  }
0x87: {  	_ =	shalt  }
.Lfunc_end0:
.L_simem_size_0:
called_computation.2_lowered:
.L_overlay_start_0:
0x88: {  	s2 =	sld [smem:$0x3FD9]  }
0x89: {  	s3 =	sld [smem:$0x3FFE];
	_ =	sdelay $0x1  }
0x8a: {  	s1 =	srdreg.scid  }
0x8b: {  	s0 =	sand.u32 $0x1, s1  }
0x8c: {  	s16 =	sshll.u32 s0, $0xA;
	s2 =	sadd.s32 s3, s2  }
0x8d: {  	s2 =	sadd.s32 s2, s16  }
0x8e: {  	[smem:$0x3FBF] =	sst s2  }
0x8f: {  	_ = 	snop  }
0x90: {  	(tm) =	ssettm $0x1  }
0x91: {  	s17 =	sld [smem:$0x3FFB];
	_ =	sdelay $0x3  }
0x92: {  	_ =	strace s17  }
0x93: {  	s2 =	sld [smem:$0x3FFC];
	_ =	sdelay $0x3  }
0x94: {  	_ =	strace s2  }
0x95: {  	s2 =	sld [smem:$0x3FFD];
	_ =	sdelay $0x3  }
0x96: {  	_ =	strace s2  }
0x97: {  	_ =	strace $0x8FFFFFFF  }
0x98: {  	s18 =	sld [smem:$0x3FDB];
	_ =	sdelay $0x1  }
0x99: {  	s19 =	simm.s32 $_scs_section_size  }
0x9a: {  	s4 =	simm.s32 $_size__tile_overlayer_lowered;
	s5 =	simm.s32 $_tile_overlayer_lowered  }
0x9b: {  	s22 =	simm.s32 $0x1BFF;
	s21 =	sshll.u32 s5, $0x1;
	s2 =	sadd.s32 s19, s18  }
0x9c: {  	s6 =	simm.s32 $0x0;
	s20 =	sshll.u32 s4, $0x1;
	s4 =	sadd.s32 s21, s2  }
0x9d: {  	[timem:s6], [sflag:s22] =	dma.local [hbm:s4], s20  }
0x9e: {  	_ =	swait.ge [sflag:s22], s20  }
0x9f: {  	s3 =	ssub.s32 $0x0, s20;
	[sflag:s22] =	ssyncset.done $0x0  }
0xa0: {  	[sflag:s22] =	ssyncadd.s32 s3;
	_ =	sdelay $0x1  }
0xa1: {  	s23 =	simm.s32 $0x1B8B  }
0xa2: {  	_ =	swait.ge [sflag:s23], $0x1  }
0xa3: {  	[sflag:s23] =	ssyncset.done $0x0  }
0xa4: {  	s25 =	simm.s32 $0x1B8E;
	s24 =	sld [smem:$0x3FFE];
	[sflag:s23] =	ssyncadd.s32 $0xFFFFFFFF  }
0xa5: {  	s26 =	simm.s32 $execute0_lowered;
	[smem:$0x3FD2] =	sst s25  }
0xa6: {  	s4 =	sshll.u32 s26, $0x1;
	_ =	strace $0x8000004C;
	[dreg:$0x1] =	wrdreg $0xFFFFFFFF  }
0xa7: {  	s28 =	simm.s32 $_size_execute0_lowered;
	s2 =	sadd.s32 s2, s4;
	[dreg:$0x0] =	wrdreg $0x0  }
0xa8: {  	s4 =	sshll.u32 s28, $0x1;
	[dreg:$0x2] =	wrdreg s2  }
0xa9: {  	[dreg:$0x3] =	wrdreg s4  }
0xaa: {  	[dreg:$0x4] =	wrdreg $0xC0  }
0xab: {  	_ =	task [dreg:s6], $0x5FFFF  }
0xac: {  	[dreg:$0x1] =	wrdreg $0xFFFFFFFF  }
0xad: {  	[dreg:$0x0] =	wrdreg $0x60  }
0xae: {  	[dreg:$0x2] =	wrdreg s24  }
0xaf: {  	[dreg:$0x3] =	wrdreg $0x132000  }
0xb0: {  	[dreg:$0x4] =	wrdreg $0x92000  }
0xb1: {  	[dreg:$0x5] =	wrdreg $0x9  }
0xb2: {  	_ =	task.clear_ibuf [dreg:s6], $0x6FFFF;
	_ =	strace $0x9000004C  }
0xb3: {  	s29 =	simm.s32 $0x9;
	_ =	strace $0x8000004E  }
0xb4: {  	_ =	swait.ge [sflag:s29], $0x1  }
0xb5: {  	[sflag:s29] =	ssyncadd.s32 $0xFFFFFFFF  }
0xb6: {  	_ =	strace $0x9000004E  }
0xb7: {  	_ =	sfence  }
0xb8: {  	s30 =	sld [smem:$0x0];
	_ =	sdelay $0x2  }
0xb9: {  	s31 =	sshll.u32 s1, $0xD;
	s1 =	sshrl.u32 s1, $0x2  }
0xba: {  	s3 =	sand.u32 $0x4000, s31;
	s1 =	sadd.s32 s1, s30  }
0xbb: {  	s0 =	sor.u32 s3, s0;
	s1 =	sshll.u32 s1, $0x11  }
0xbc: {  	s0 =	sor.u32 s1, s0  }
0xbd: {  	s0 =	sadd.s32 $0x8F2B, s0  }
0xbe: {  	[sflag:s0] =	ssyncadd.remote.s32 $0x1  }
0xbf: {  	_ =	sfence.sel $0xFFFF  }
0xc0: {  	[dreg:$0x0] =	wrdreg $0xFFFFFFFF;
	(pc) =	sbr.abs _section_cstart, $3  }
0xc1: {  	[dreg:$0x1] =	wrdreg $0xFFFFFFFF  }
0xc2: {  	_ =	task.clear_ibuf [dreg:s6], $0x2FFFF;
	_ =	strace $0x9FFFFFFF  }
0xc3: {  	(tm) =	ssettm $0x7FFFFFFF  }
tec
execute0_lowered:
.L_overlay_start_1:
0x0: {  	(tag) =	ssettag $0x1  }
0x1: {  	s6 =	rddreg [dreg:$0x0]  }
0x2: {  	s2 =	rddreg [dreg:$0x1]  }
0x3: {  	s3 =	rddreg [dreg:$0x2]  }
0x4: {  	s0 =	rddreg [dreg:$0x3]  }
0x5: {  	s1 =	stileid.u32;
	s4 =	srdreg.scid  }
0x6: {  	s16 =	simm.s32 $0x100;
	s17 =	simm.s32 $0x5200;
	s18 =	simm.s32 $0x1  }
0x7: {  	s19 =	simm.s32 $0x0;
	s7 =	smul.u32 $0xA000, s1;
	s5 =	sand.u32 $0x1, s4  }
0x8: {  	s8 =	sshll.u32 s1, $0x1;
	s4 =	simm.s32 $0x0;
	s31 =	sshll.u32 s1, $0x6  }
0x9: {  	s8 =	sor.u32 s5, s8;
	s9 =	smul.u32 $0xA0000, s5;
	[smem:$0x7FF] =	sst s4  }
0xa: {  	s29 =	ssub.s32 $0x2, s5;
	s5 =	sadd.s32 $0xBE00, s6;
	s10 =	sshrl.u32 s7, $0x3  }
0xb: {  	s8 =	smul.u32 $0x520, s8;
	_ =	strace $0x8000004D;
	s30 =	sshrl.u32 s29, $0x1  }
0xc: {  	s14 =	sadd.s32 s7, s2;
	s15 =	sadd.s32 s7, s3;
	s9 =	sadd.s32 s7, s9  }
0xd: {  	s10 =	sadd.s32 s10, s6;
	s13 =	ssub.s32 s29, s30;
	s28 =	sshrl.u32 s9, $0x3  }
0xe: {  	s11 =	sadd.s32 s8, s6;
	s7 =	sadd.s32 $0x70A00, s10;
	s12 =	sadd.s32 s28, s6  }
0xf: {  	s6 =	sor.u32 $0x1C02, s31;
	s8 =	sadd.s32 $0x16600, s11;
	s9 =	sadd.s32 $0x1A00, s11  }
0x10: {  	s11 =	smax.u32 s13, $0x1;
	s13 =	simm.s32 $0x2;
	s10 =	sadd.s32 $0x84A00, s12  }
0x11: {  	s12 =	sshrl.u32 s14, $0x3;
	s14 =	sshrl.u32 s15, $0x3;
	s15 =	simm.s32 $0x2900  }
.LBB2_1:
0x12: {  	[spmem:s12], [sflag:s6] =	dma.local [hbm:s5], $0x1400  }
0x13: {  	_ =	swait.ge [sflag:s13], $0x1400  }
0x14: {  	[sflag:s13] =	ssyncset.done $0x0  }
0x15: {  	[sflag:s13] =	ssyncadd.s32 $0xFFFFEC00  }
0x16: {  	[spmem:s14], [sflag:s6] =	dma.local [hbm:s7], $0x1400  }
0x17: {  	_ =	swait.ge [sflag:s13], $0x1400  }
0x18: {  	[sflag:s13] =	ssyncset.done $0x0  }
0x19: {  	[sflag:s13] =	ssyncadd.s32 $0xFFFFEC00  }
0x1a: {  	[tilespmem:s4], [sflag:$0x2] =	stream.linear.gather [hbm4b:s8+s4], $0x2900, $0x38;
	[tilespmem:$0x1D200] =	vst v63  }
0x1b: {  	_ =	swait.ge [sflag:s13], $0x2900  }
0x1c: {  	[sflag:s13] =	ssyncset.done $0x0  }
0x1d: {  	[sflag:s13] =	ssyncadd.s32 $0xFFFFD700  }
0x1e: {  	[tilespmem:s15], [sflag:$0x2] =	stream.linear.gather [hbm4b:s9+s4], $0x2900, $0x38;
	[tilespmem:$0x1D200] =	vst v63  }
0x1f: {  	_ =	swait.ge [sflag:s13], $0x2900  }
0x20: {  	[sflag:s13] =	ssyncset.done $0x0  }
0x21: {  	[sflag:s13] =	ssyncadd.s32 $0xFFFFD700  }
0x22: {  	s20 =	simm.s32 $0x0;
	[bflag:$0x0] =	sbarrier.arrive $0xFFFF  }
0x23: {  	[tilespmem:s17], [sflag:$0x1] =	stream.indirect.gather [spmem:s3], $0x40, s20, s16, $0xb8;
	[tilespmem:$0x1D200] =	vst v63  }
0x24: {  	_ =	swait.ge [sflag:s18], $0x4000  }
0x25: {  	[sflag:s18] =	ssyncset.done $0x0  }
0x26: {  	s31 =	simm.s32 $0x2900;
	[sflag:s18] =	ssyncadd.s32 $0xFFFFC000  }
0x27: {  	[spmem:s2] =	stream.indirect.scatter.add.f32 [tilespmem:s17], [sflag:$0x2], $0x40, s31, s16, $0xb8;
	[tilespmem:$0x1D200] =	vst v63  }
0x28: {  	_ =	swait.ge [sflag:s13], $0x4000  }
0x29: {  	s21 =	simm.s32 $0x800;
	s20 =	simm.s32 $0x400;
	[sflag:s13] =	ssyncset.done $0x0  }
.LBB2_2:
0x2a: {  	s22 =	sshra.s32 s20, $0x2  }
0x2b: {  	[sflag:s13] =	ssyncadd.s32 $0xFFFFC000;
	s20 =	smov.u32 s21;
	s23 =	sadd.s32 $0x400, s21  }
0x2c: {  	[tilespmem:s17], [sflag:$0x1] =	stream.indirect.gather [spmem:s3], $0x40, s22, s16, $0xb8;
	[tilespmem:$0x1D200] =	vst v63  }
0x2d: {  	p0 =	sne.s32 s21, $0x9C00;
	_ =	swait.ge [sflag:s18], $0x4000  }
.Ltmp0:
0x2e: {  	[sflag:s18] =	ssyncset.done $0x0;
	(pc) =	sbr.rel @p0 .LBB2_2-.Ltmp0, $4  }
0x2f: {  	s21 =	sadd.s32 $0x2900, s22;
	[sflag:s18] =	ssyncadd.s32 $0xFFFFC000  }
0x30: {  	[spmem:s2] =	stream.indirect.scatter.add.f32 [tilespmem:s17], [sflag:$0x2], $0x40, s21, s16, $0xb8;
	[tilespmem:$0x1D200] =	vst v63  }
0x31: {  	_ =	swait.ge [sflag:s13], $0x4000  }
0x32: {  	s21 =	smov.u32 s23;
	[sflag:s13] =	ssyncset.done $0x0  }
0x33: {  	s20 =	sshra.s32 s20, $0x2;
	[sflag:s13] =	ssyncadd.s32 $0xFFFFC000  }
0x34: {  	[tilespmem:s17], [sflag:$0x1] =	stream.indirect.gather [spmem:s3], $0x40, s20, s16, $0xb8;
	[tilespmem:$0x1D200] =	vst v63  }
0x35: {  	_ =	swait.ge [sflag:s18], $0x4000  }
0x36: {  	[sflag:s18] =	ssyncset.done $0x0  }
0x37: {  	s20 =	sadd.s32 $0x2900, s20;
	[sflag:s18] =	ssyncadd.s32 $0xFFFFC000  }
0x38: {  	[spmem:s2] =	stream.indirect.scatter.add.f32 [tilespmem:s17], [sflag:$0x2], $0x40, s20, s16, $0xb8;
	[tilespmem:$0x1D200] =	vst v63  }
0x39: {  	_ =	swait.ge [sflag:s13], $0x4000  }
0x3a: {  	s19 =	sadd.s32 $0x1, s19;
	[sflag:s13] =	ssyncset.done $0x0  }
0x3b: {  	p0 =	sne.s32 s19, s11;
	[sflag:s13] =	ssyncadd.s32 $0xFFFFC000  }
.Ltmp1:
0x3c: {  	[bflag:$0x0] =	sbarrier.arrive $0xFFFF;
	(pc) =	sbr.rel @p0 .LBB2_1-.Ltmp1, $4  }
0x3d: {  	[hbm:s10], [sflag:s6] =	dma.local [spmem:s12], $0x1400  }
0x3e: {  	_ =	swait.ge [sflag:s13], $0x1400  }
0x3f: {  	[sflag:s13] =	ssyncset.done $0x0  }
0x40: {  	[sflag:s13] =	ssyncadd.s32 $0xFFFFEC00  }
0x41: {  	_ =	sfence.sel $0x180000  }
0x42: {  	[bflag:$0x0] =	sbarrier.arrive $0xFFFF  }
0x43: {  	p0 =	sne.s32 s1, $0x0;
	_ =	strace $0x9000004D  }
0x44: {  	s0 =	sadd.s32 @!p0 $0x100000, s0;
	[bflag:$0x2] =	sbarrier.arrive $0xFFFF  }
0x45: {  	[sflag:s0] =	ssyncadd.tile.s32 @!p0 $0x1;
	_ =	shalt  }
.Lfunc_end2:
_tile_overlayer_lowered:
.L_overlay_start_2:
0x46: {  	(tag) =	ssettag $0x2  }
0x47: {  	s0 =	rddreg [dreg:$0x0];
	s2 =	stileid.u32  }
0x48: {  	s1 =	rddreg [dreg:$0x1];
	p0 =	sne.s32 s2, $0x0  }
0x49: {  	s3 =	rddreg [dreg:$0x2];
	[bflag:$0x3] =	sbarrier.arrive $0xFFFF;
	s2 =	simm.s32 @!p0 $0x1C02  }
0x4a: {  	[timem:s3], [sflag:s2] =	dma.local @!p0 [hbm:s0], s1  }
0x4b: {  	s0 =	simm.s32 @!p0 $0x2  }
0x4c: {  	_ =	swait.ge @!p0 [sflag:s0], s1  }
0x4d: {  	s1 =	ssub.s32 @!p0 $0x0, s1;
	[sflag:s0] =	ssyncset.done @!p0 $0x0  }
0x4e: {  	[sflag:s0] =	ssyncadd.s32 @!p0 s1  }
0x4f: {  	[bflag:$0x3] =	sbarrier.arrive $0xFFFF  }
0x50: {  	_ =	shalt  }

// kernel: kernel.8.cloned.1.call-start
scs
__scs_entry_jumppad:
0x0: {  	(pc) =	sbr.rel $0x88, $3  }
0x1: {  	(tag) =	ssettag $0x0;
	lr =	simm.s32 $0x1  }
0x2: {  	[smem:$0x3F98] =	sst lr;
	_ =	strace $0xD0000000  }
0x3: {  	_ = 	snop  }
0x4: {  	_ = 	snop  }
0x5: {  	_ = 	snop  }
0x6: {  	_ = 	snop  }
0x7: {  	_ = 	snop  }
__scs_overlays_trampoline_lowered:
0x8: {  	[smem:$0x3FA7] =	sst s0  }
0x9: {  	[smem:$0x3FA8] =	sst s1  }
0xa: {  	[smem:$0x3FA9] =	sst s2  }
0xb: {  	[smem:$0x3FAA] =	sst s3  }
0xc: {  	[smem:$0x3FAB] =	sst s4  }
0xd: {  	[smem:$0x3FAC] =	sst s5  }
0xe: {  	[smem:$0x3FAD] =	sst s6  }
0xf: {  	[smem:$0x3FAE] =	sst s7  }
0x10: {  	[smem:$0x3FAF] =	sst s8  }
0x11: {  	[smem:$0x3FB0] =	sst s9;
	s0 =	simm.s32 @!p0 $0x0  }
0x12: {  	s1 =	sld [smem:$0x3F96];
	s0 =	simm.s32 @p0 $0x1  }
0x13: {  	[smem:$0x3FB1] =	sst s0;
	s0 =	simm.s32 @!p1 $0x0  }
0x14: {  	s2 =	sld [smem:$0x3F95];
	s0 =	simm.s32 @p1 $0x1  }
0x15: {  	[smem:$0x3FB2] =	sst s0;
	s0 =	simm.s32 @!p2 $0x0  }
0x16: {  	s3 =	sld [smem:$0x3FDB];
	s0 =	simm.s32 @p2 $0x1  }
0x17: {  	s4 =	simm.s32 $0x1BF5;
	[smem:$0x3FB4] =	sst s0  }
0x18: {  	s0 =	sld [smem:$0x3F97];
	_ =	swait.ge [sflag:s4], $0x0  }
0x19: {  	s7 =	sld [smem:$0x3F98]  }
0x1a: {  	s8 =	sadd.s32 $0xFFFFE003, lr  }
0x1b: {  	s9 =	sadd.s32 $0xFFFFFEF7, lr;
	s5 =	simm.s32 $0xFFFFFFFF;
	p2 =	slt.u32 s8, $0xFFFFF086  }
0x1c: {  	p1 =	slt.u32 s9, $0xF7A;
	s5 =	simm.s32 @!p2 $0x0  }
0x1d: {  	s5 =	simm.s32 @p1 $0x1;
	p0 =	seq.s32 s7, s2  }
0x1e: {  	s7 =	smul.u32 @!p0 $0xF7A, s2;
	p2 =	seq.s32 @!p0 s5, $0x0  }
0x1f: {  	s9 =	smul.u32 $0xF7A, s1;
	s8 =	simm.s32 @!p0 $0x1BF5;
	p2 =	por !p2, p0  }
0x20: {  	[sflag:s8] =	ssyncset.s32 @!p0 $0xFFFFF086;
	s6 =	sadd.s32 @!p0 s3, s7;
	s7 =	simm.s32 @!p0 $0x108  }
0x21: {  	s3 =	sadd.s32 s3, s9;
	s6 =	sadd.s32 @!p0 $0x88, s6;
	s7 =	simm.s32 @p2 $0x1082  }
0x22: {  	[simem:s7], [sflag:s8] =	dma.local @!p0 [hbm:s6], $0xF7A  }
0x23: {  	s9 =	sor.u32 $0xD0000000, s2;
	s6 =	simm.s32 $0x108;
	_ =	swait.ge @!p0 [sflag:s8], $0x0  }
0x24: {  	s3 =	sadd.s32 $0x88, s3;
	s6 =	simm.s32 @!p1 $0x1082;
	[sflag:s4] =	ssyncset.s32 $0xFFFFF086  }
0x25: {  	[simem:s6], [sflag:s4] =	dma.local [hbm:s3], $0xF7A  }
0x26: {  	[smem:$0x3F98] =	sst s1;
	(tag) =	ssettag s2;
	_ =	strace s9  }
0x27: {  	s1 =	sld [smem:$0x3FA8]  }
0x28: {  	s2 =	sld [smem:$0x3FA9]  }
0x29: {  	s4 =	sld [smem:$0x3FAB]  }
0x2a: {  	p0 =	seq.s32 s5, $0x0;
	s5 =	sld [smem:$0x3FAC]  }
0x2b: {  	s6 =	sld [smem:$0x3FAD]  }
0x2c: {  	s7 =	sld [smem:$0x3FAE]  }
0x2d: {  	s3 =	simm.s32 $0x108;
	s8 =	sld [smem:$0x3FAF]  }
0x2e: {  	s3 =	simm.s32 @!p0 $0x1082;
	s9 =	sld [smem:$0x3FB0]  }
0x2f: {  	lr =	sadd.s32 s0, s3;
	s0 =	sld [smem:$0x3FA7]  }
0x30: {  	s3 =	sld [smem:$0x3FAA]  }
0x31: {  	[smem:$0x3FB3] =	sst s10  }
0x32: {  	s10 =	sld [smem:$0x3FB1];
	_ =	sdelay $0x3  }
0x33: {  	p0 =	seq.s32 s10, $0x1;
	s10 =	sld [smem:$0x3FB3];
	_ =	sdelay $0x3  }
0x34: {  	[smem:$0x3FB3] =	sst s10  }
0x35: {  	s10 =	sld [smem:$0x3FB2];
	_ =	sdelay $0x3  }
0x36: {  	p1 =	seq.s32 s10, $0x1;
	s10 =	sld [smem:$0x3FB3];
	_ =	sdelay $0x3  }
0x37: {  	[smem:$0x3FB3] =	sst s10  }
0x38: {  	s10 =	sld [smem:$0x3FB4]  }
0x39: {  	_ = 	snop;
	(pc) =	sbr.ind lr, $3  }
0x3a: {  	_ = 	snop  }
0x3b: {  	_ = 	snop  }
0x3c: {  	p2 =	seq.s32 s10, $0x1;
	s10 =	sld [smem:$0x3FB3]  }
0x3d: {  	_ =	shalt  }
0x3e: {  	_ =	shalt  }
0x3f: {  	_ =	shalt  }
0x40: {  	_ =	shalt  }
0x41: {  	_ =	shalt  }
0x42: {  	_ =	shalt  }
0x43: {  	_ =	shalt  }
0x44: {  	_ =	shalt  }
0x45: {  	_ =	shalt  }
0x46: {  	_ =	shalt  }
0x47: {  	_ =	shalt  }
0x48: {  	_ =	shalt  }
0x49: {  	_ =	shalt  }
0x4a: {  	_ =	shalt  }
0x4b: {  	_ =	shalt  }
0x4c: {  	_ =	shalt  }
0x4d: {  	_ =	shalt  }
0x4e: {  	_ =	shalt  }
0x4f: {  	_ =	shalt  }
0x50: {  	_ =	shalt  }
0x51: {  	_ =	shalt  }
0x52: {  	_ =	shalt  }
0x53: {  	_ =	shalt  }
0x54: {  	_ =	shalt  }
0x55: {  	_ =	shalt  }
0x56: {  	_ =	shalt  }
0x57: {  	_ =	shalt  }
0x58: {  	_ =	shalt  }
0x59: {  	_ =	shalt  }
0x5a: {  	_ =	shalt  }
0x5b: {  	_ =	shalt  }
0x5c: {  	_ =	shalt  }
0x5d: {  	_ =	shalt  }
0x5e: {  	_ =	shalt  }
0x5f: {  	_ =	shalt  }
0x60: {  	_ =	shalt  }
0x61: {  	_ =	shalt  }
0x62: {  	_ =	shalt  }
0x63: {  	_ =	shalt  }
0x64: {  	_ =	shalt  }
0x65: {  	_ =	shalt  }
0x66: {  	_ =	shalt  }
0x67: {  	_ =	shalt  }
0x68: {  	_ =	shalt  }
0x69: {  	_ =	shalt  }
0x6a: {  	_ =	shalt  }
0x6b: {  	_ =	shalt  }
0x6c: {  	_ =	shalt  }
0x6d: {  	_ =	shalt  }
0x6e: {  	_ =	shalt  }
0x6f: {  	_ =	shalt  }
0x70: {  	_ =	shalt  }
0x71: {  	_ =	shalt  }
0x72: {  	_ =	shalt  }
0x73: {  	_ =	shalt  }
0x74: {  	_ =	shalt  }
0x75: {  	_ =	shalt  }
0x76: {  	_ =	shalt  }
0x77: {  	_ =	shalt  }
0x78: {  	_ =	shalt  }
0x79: {  	_ =	shalt  }
0x7a: {  	_ =	shalt  }
0x7b: {  	_ =	shalt  }
0x7c: {  	_ =	shalt  }
0x7d: {  	_ =	shalt  }
0x7e: {  	_ =	shalt  }
0x7f: {  	_ =	shalt  }
0x80: {  	_ =	shalt  }
0x81: {  	_ =	shalt  }
0x82: {  	_ =	shalt  }
0x83: {  	_ =	shalt  }
0x84: {  	_ =	shalt  }
0x85: {  	_ =	shalt  }
0x86: {  	_ =	shalt  }
0x87: {  	_ =	shalt  }
.Lfunc_end0:
.L_simem_size_0:
called_computation_lowered:
.L_overlay_start_0:
0x88: {  	s2 =	sld [smem:$0x3FD9]  }
0x89: {  	s3 =	sld [smem:$0x3FFE];
	_ =	sdelay $0x1  }
0x8a: {  	s1 =	srdreg.scid  }
0x8b: {  	s0 =	sand.u32 $0x1, s1  }
0x8c: {  	s16 =	sshll.u32 s0, $0xA;
	s2 =	sadd.s32 s3, s2  }
0x8d: {  	s2 =	sadd.s32 s2, s16  }
0x8e: {  	[smem:$0x3FBF] =	sst s2  }
0x8f: {  	_ = 	snop  }
0x90: {  	(tm) =	ssettm $0x1  }
0x91: {  	s17 =	sld [smem:$0x3FFB];
	_ =	sdelay $0x3  }
0x92: {  	_ =	strace s17  }
0x93: {  	s2 =	sld [smem:$0x3FFC];
	_ =	sdelay $0x3  }
0x94: {  	_ =	strace s2  }
0x95: {  	s2 =	sld [smem:$0x3FFD];
	_ =	sdelay $0x3  }
0x96: {  	_ =	strace s2  }
0x97: {  	_ =	strace $0x8FFFFFFF  }
0x98: {  	s18 =	sld [smem:$0x3FDB];
	_ =	sdelay $0x1  }
0x99: {  	s19 =	simm.s32 $_scs_section_size  }
0x9a: {  	s4 =	simm.s32 $_size__tile_overlayer_lowered;
	s5 =	simm.s32 $_tile_overlayer_lowered  }
0x9b: {  	s22 =	simm.s32 $0x1BFF;
	s21 =	sshll.u32 s5, $0x1;
	s2 =	sadd.s32 s19, s18  }
0x9c: {  	s6 =	simm.s32 $0x0;
	s20 =	sshll.u32 s4, $0x1;
	s4 =	sadd.s32 s21, s2  }
0x9d: {  	[timem:s6], [sflag:s22] =	dma.local [hbm:s4], s20  }
0x9e: {  	_ =	swait.ge [sflag:s22], s20  }
0x9f: {  	s3 =	ssub.s32 $0x0, s20;
	[sflag:s22] =	ssyncset.done $0x0  }
0xa0: {  	[sflag:s22] =	ssyncadd.s32 s3;
	_ =	sdelay $0x1  }
0xa1: {  	s23 =	simm.s32 $0x1B8B  }
0xa2: {  	_ =	swait.ge [sflag:s23], $0x1  }
0xa3: {  	[sflag:s23] =	ssyncset.done $0x0  }
0xa4: {  	s25 =	simm.s32 $0x1B8E;
	s24 =	sld [smem:$0x3FFE];
	[sflag:s23] =	ssyncadd.s32 $0xFFFFFFFF  }
0xa5: {  	s26 =	simm.s32 $execute0_lowered;
	[smem:$0x3FD2] =	sst s25  }
0xa6: {  	s4 =	sshll.u32 s26, $0x1;
	_ =	strace $0x80000046;
	[dreg:$0x1] =	wrdreg $0xFFFFFFFF  }
0xa7: {  	s28 =	simm.s32 $_size_execute0_lowered;
	s2 =	sadd.s32 s2, s4;
	[dreg:$0x0] =	wrdreg $0x0  }
0xa8: {  	s4 =	sshll.u32 s28, $0x1;
	[dreg:$0x2] =	wrdreg s2  }
0xa9: {  	[dreg:$0x3] =	wrdreg s4  }
0xaa: {  	[dreg:$0x4] =	wrdreg $0xC0  }
0xab: {  	_ =	task [dreg:s6], $0x5FFFF  }
0xac: {  	[dreg:$0x1] =	wrdreg $0xFFFFFFFF  }
0xad: {  	[dreg:$0x0] =	wrdreg $0x60  }
0xae: {  	[dreg:$0x2] =	wrdreg s24  }
0xaf: {  	[dreg:$0x3] =	wrdreg $0x39000  }
0xb0: {  	[dreg:$0x4] =	wrdreg $0x9  }
0xb1: {  	_ =	task.clear_ibuf [dreg:s6], $0x5FFFF;
	_ =	strace $0x90000046  }
0xb2: {  	s29 =	simm.s32 $0x9;
	_ =	strace $0x80000048  }
0xb3: {  	_ =	swait.ge [sflag:s29], $0x1  }
0xb4: {  	[sflag:s29] =	ssyncadd.s32 $0xFFFFFFFF  }
0xb5: {  	_ =	strace $0x90000048  }
0xb6: {  	_ =	sfence  }
0xb7: {  	s30 =	sld [smem:$0x0];
	_ =	sdelay $0x2  }
0xb8: {  	s31 =	sshll.u32 s1, $0xD;
	s1 =	sshrl.u32 s1, $0x2  }
0xb9: {  	s3 =	sand.u32 $0x4000, s31;
	s1 =	sadd.s32 s1, s30  }
0xba: {  	s0 =	sor.u32 s3, s0;
	s1 =	sshll.u32 s1, $0x11  }
0xbb: {  	s0 =	sor.u32 s1, s0  }
0xbc: {  	s0 =	sadd.s32 $0x8F2B, s0  }
0xbd: {  	[sflag:s0] =	ssyncadd.remote.s32 $0x1  }
0xbe: {  	_ =	sfence.sel $0xFFFF  }
0xbf: {  	[dreg:$0x0] =	wrdreg $0xFFFFFFFF;
	(pc) =	sbr.abs _section_cstart, $3  }
0xc0: {  	[dreg:$0x1] =	wrdreg $0xFFFFFFFF  }
0xc1: {  	_ =	task.clear_ibuf [dreg:s6], $0x2FFFF;
	_ =	strace $0x9FFFFFFF  }
0xc2: {  	(tm) =	ssettm $0x7FFFFFFF  }
0xc3: {  	_ =	shalt  }
tec
execute0_lowered:
.L_overlay_start_1:
0x0: {  	(tag) =	ssettag $0x1  }
0x1: {  	s1 =	srdreg.scid;
	s6 =	rddreg [dreg:$0x0]  }
0x2: {  	s0 =	stileid.u32;
	s2 =	rddreg [dreg:$0x1]  }
0x3: {  	s3 =	simm.s32 $0x0;
	s12 =	simm.s32 $0x2900;
	s13 =	simm.s32 $0x100  }
0x4: {  	s14 =	simm.s32 $0x0;
	s5 =	sand.u32 $0x1, s1;
	s29 =	sshll.u32 s0, $0x1  }
0x5: {  	s7 =	smul.u32 $0x2800, s0;
	[smem:$0x7FF] =	sst s3;
	s31 =	sshll.u32 s0, $0x6  }
0x6: {  	s1 =	sor.u32 s5, s29;
	s8 =	smul.u32 $0x28000, s5;
	s10 =	ssub.s32 $0x2, s5  }
0x7: {  	s5 =	sadd.s32 $0xBE00, s6;
	s4 =	smul.u32 $0x520, s1;
	s1 =	rddreg [dreg:$0x2]  }
0x8: {  	_ =	strace $0x80000047;
	s30 =	sshrl.u32 s10, $0x1;
	s8 =	sadd.s32 s7, s8  }
0x9: {  	s11 =	sadd.s32 s7, s2;
	s10 =	ssub.s32 s10, s30;
	s8 =	sshrl.u32 s8, $0x3  }
0xa: {  	s9 =	sadd.s32 s4, s6;
	s4 =	sadd.s32 $0xC400, s6;
	s8 =	sadd.s32 s8, s6  }
0xb: {  	s6 =	sor.u32 $0x1C01, s31;
	s7 =	sadd.s32 $0x1A00, s9;
	s9 =	smax.u32 s10, $0x1  }
0xc: {  	s10 =	sshrl.u32 s11, $0x3;
	s11 =	simm.s32 $0x1;
	s8 =	sadd.s32 $0xC600, s8  }
.LBB2_1:
0xd: {  	[spmem:s10], [sflag:s6] =	dma.local [hbm:s5], $0x500  }
0xe: {  	_ =	swait.ge [sflag:s11], $0x500  }
0xf: {  	[sflag:s11] =	ssyncset.done $0x0  }
0x10: {  	[sflag:s11] =	ssyncadd.s32 $0xFFFFFB00  }
0x11: {  	[tilespmem:s12], [sflag:$0x1] =	stream.linear.gather [hbm4b:s4+s3], $0x1000, $0x38;
	[tilespmem:$0x6100] =	vst v63  }
0x12: {  	_ =	swait.ge [sflag:s11], $0x1000  }
0x13: {  	[sflag:s11] =	ssyncset.done $0x0  }
0x14: {  	[sflag:s11] =	ssyncadd.s32 $0xFFFFF000  }
0x15: {  	[tilespmem:s3], [sflag:$0x1] =	stream.linear.gather [hbm4b:s7+s3], $0x2900, $0x38;
	[tilespmem:$0x6100] =	vst v63  }
0x16: {  	_ =	swait.ge [sflag:s11], $0x2900  }
0x17: {  	[sflag:s11] =	ssyncset.done $0x0  }
0x18: {  	[sflag:s11] =	ssyncadd.s32 $0xFFFFD700  }
0x19: {  	s15 =	simm.s32 $0x0;
	[bflag:$0x0] =	sbarrier.arrive $0xFFFF  }
0x1a: {  	[spmem:s2] =	stream.indirect.scatter.add.f32 [tilespmem:s12], [sflag:$0x1], $0x10, s15, s13, $0xb8;
	[tilespmem:$0x6100] =	vst v63  }
0x1b: {  	_ =	swait.ge [sflag:s11], $0x1000  }
0x1c: {  	s15 =	simm.s32 $0x400;
	[sflag:s11] =	ssyncset.done $0x0  }
.LBB2_2:
0x1d: {  	s16 =	sshra.s32 s15, $0x2;
	[sflag:s11] =	ssyncadd.s32 $0xFFFFF000;
	p0 =	sne.s32 s15, $0x9C00  }
0x1e: {  	[spmem:s2] =	stream.indirect.scatter.add.f32 [tilespmem:s12], [sflag:$0x1], $0x10, s16, s13, $0xb8;
	[tilespmem:$0x6100] =	vst v63  }
.Ltmp0:
0x1f: {  	_ = 	snop;
	(pc) =	sbr.rel @p0 .LBB2_2-.Ltmp0, $4  }
0x20: {  	_ = 	snop  }
0x21: {  	s15 =	sadd.s32 $0x400, s15  }
0x22: {  	_ =	swait.ge [sflag:s11], $0x1000  }
0x23: {  	[sflag:s11] =	ssyncset.done $0x0  }
0x24: {  	s14 =	sadd.s32 $0x1, s14  }
0x25: {  	[sflag:s11] =	ssyncadd.s32 $0xFFFFF000;
	p0 =	sne.s32 s14, s9  }
.Ltmp1:
0x26: {  	[bflag:$0x0] =	sbarrier.arrive $0xFFFF;
	(pc) =	sbr.rel @p0 .LBB2_1-.Ltmp1, $4  }
0x27: {  	[hbm:s8], [sflag:s6] =	dma.local [spmem:s10], $0x500  }
0x28: {  	_ =	swait.ge [sflag:s11], $0x500  }
0x29: {  	[sflag:s11] =	ssyncset.done $0x0  }
0x2a: {  	[sflag:s11] =	ssyncadd.s32 $0xFFFFFB00  }
0x2b: {  	_ =	sfence.sel $0x180000  }
0x2c: {  	[bflag:$0x0] =	sbarrier.arrive $0xFFFF  }
0x2d: {  	p0 =	sne.s32 s0, $0x0;
	_ =	strace $0x90000047  }
0x2e: {  	s0 =	sadd.s32 @!p0 $0x100000, s1;
	[bflag:$0x2] =	sbarrier.arrive $0xFFFF  }
0x2f: {  	[sflag:s0] =	ssyncadd.tile.s32 @!p0 $0x1;
	_ =	shalt  }
.Lfunc_end2:
_tile_overlayer_lowered:
.L_overlay_start_2:
0x30: {  	(tag) =	ssettag $0x2  }
0x31: {  	s0 =	rddreg [dreg:$0x0];
	s2 =	stileid.u32  }
0x32: {  	s1 =	rddreg [dreg:$0x1];
	p0 =	sne.s32 s2, $0x0  }
0x33: {  	s3 =	rddreg [dreg:$0x2];
	[bflag:$0x3] =	sbarrier.arrive $0xFFFF;
	s2 =	simm.s32 @!p0 $0x1C01  }
0x34: {  	[timem:s3], [sflag:s2] =	dma.local @!p0 [hbm:s0], s1  }
0x35: {  	s0 =	simm.s32 @!p0 $0x1  }
0x36: {  	_ =	swait.ge @!p0 [sflag:s0], s1  }
0x37: {  	s1 =	ssub.s32 @!p0 $0x0, s1;
	[sflag:s0] =	ssyncset.done @!p0 $0x0  }
0x38: {  	[sflag:s0] =	ssyncadd.s32 @!p0 s1  }
0x39: {  	[bflag:$0x3] =	sbarrier.arrive $0xFFFF  }
0x3a: {  	_ =	shalt  }

</sc_bundles>
